<compile_context>
chip_gen: v7x
topology: tpu7x:2x2x1
jax: 0.10.2.dev20260603
libtpu: 0.0.44.dev20260713+nightly
codegen_flags: <defaults>
</compile_context>

<pallas_src>
import functools

import jax
import jax.numpy as jnp
from jax import lax
from jax.experimental import pallas as pl
from jax.experimental.pallas import tpu as pltpu
from jax.experimental.pallas import tpu_sc as plsc

_NW = 32
_CH = 128
_K = 13
_BLK = _CH * _K


def _sc_gather(table, idx3, n_rows, d):
    nw, nb, blk = idx3.shape
    mesh = plsc.VectorSubcoreMesh(core_axis_name="c", subcore_axis_name="s")

    @functools.partial(
        pl.kernel,
        mesh=mesh,
        out_type=jax.ShapeDtypeStruct((n_rows, d), table.dtype),
        scratch_types=[
            pltpu.VMEM((nb, blk), jnp.int32),
            pltpu.VMEM((blk, d), table.dtype),
            pltpu.SemaphoreType.DMA,
        ],
        compiler_params=pltpu.CompilerParams(use_tc_tiling_on_sc=False),
    )
    def k(table_hbm, idx_hbm, out_hbm, idx_v, rows_v, sem):
        wid = lax.axis_index("s") * 2 + lax.axis_index("c")
        pltpu.sync_copy(idx_hbm.at[wid], idx_v)
        base = wid * (nb * blk)

        @pl.loop(0, nb)
        def _(j):
            copies = []
            for u in range(_K):
                copies.append(pltpu.async_copy(
                    table_hbm.at[idx_v.at[j, pl.ds(u * _CH, _CH)]],
                    rows_v.at[pl.ds(u * _CH, _CH)],
                    sem,
                ))
            for c in copies:
                c.wait()
            pltpu.sync_copy(rows_v, out_hbm.at[pl.ds(base + j * blk, blk)])

    return k(table, idx3)


def _tc_mlp(x_deep, xn_p, W1, b1, W2, b2, W3a, W3b_p, b3, bm):
    b_total, fd = x_deep.shape
    h1 = W1.shape[1]
    h2 = W2.shape[1]
    out = W3a.shape[1]
    npad = xn_p.shape[1]

    def body(x_ref, xn_ref, w1_ref, b1_ref, w2_ref, b2_ref, w3a_ref,
             w3b_ref, b3_ref, o_ref):
        h = jnp.dot(x_ref[...], w1_ref[...],
                    preferred_element_type=jnp.float32)
        h = jnp.maximum(h + b1_ref[...], 0.0)
        h = jnp.dot(h, w2_ref[...], preferred_element_type=jnp.float32)
        h = jnp.maximum(h + b2_ref[...], 0.0)
        o = jnp.dot(h, w3a_ref[...], preferred_element_type=jnp.float32)
        o = o + jnp.dot(xn_ref[...], w3b_ref[...],
                        preferred_element_type=jnp.float32)
        o_ref[...] = o + b3_ref[...]

    return pl.pallas_call(
        body,
        grid=(b_total // bm,),
        in_specs=[
            pl.BlockSpec((bm, fd), lambda i: (i, 0)),
            pl.BlockSpec((bm, npad), lambda i: (i, 0)),
            pl.BlockSpec((fd, h1), lambda i: (0, 0)),
            pl.BlockSpec((1, h1), lambda i: (0, 0)),
            pl.BlockSpec((h1, h2), lambda i: (0, 0)),
            pl.BlockSpec((1, h2), lambda i: (0, 0)),
            pl.BlockSpec((h2, out), lambda i: (0, 0)),
            pl.BlockSpec((npad, out), lambda i: (0, 0)),
            pl.BlockSpec((1, out), lambda i: (0, 0)),
        ],
        out_specs=pl.BlockSpec((bm, out), lambda i: (i, 0)),
        out_shape=jax.ShapeDtypeStruct((b_total, out), jnp.float32),
    )(x_deep, xn_p, W1, b1, W2, b2, W3a, W3b_p, b3)


def kernel(x_cat, x_num, emb, W1, b1, W2, b2, W3, b3):
    b, f = x_cat.shape
    v, d = emb.shape[1], emb.shape[2]
    h2 = W2.shape[1]
    num = x_num.shape[1]

    table = emb.reshape(f * v, d)
    idx = x_cat.astype(jnp.int32) + (jnp.arange(f, dtype=jnp.int32) * v)[None, :]
    n_rows = b * f
    idx3 = idx.reshape(_NW, n_rows // (_NW * _BLK), _BLK)

    gathered = _sc_gather(table, idx3, n_rows, d)
    x_deep = gathered.reshape(b, f * d)

    npad = 16
    xn_p = jnp.pad(x_num, ((0, 0), (0, npad - num)))
    W3a = W3[:h2]
    W3b_p = jnp.pad(W3[h2:], ((0, npad - num), (0, 0)))

    return _tc_mlp(x_deep, xn_p, W1, b1.reshape(1, -1), W2, b2.reshape(1, -1),
                   W3a, W3b_p, b3.reshape(1, -1), bm=1024)

# --- scband reference (transcript-rebuilt; emitter-appended) ---
"""Pipeline reference for scband-wide-and-deep-12421045420335 (READ-ONLY COPY).

The authoritative reference and input builder live on the scoring server;
editing this copy changes nothing except your own understanding.
"""

import jax, jax.numpy as jnp
import numpy as np

B = 16384
F = 26
V = 100000
D = 32
NUM = 13
H1 = 256
H2 = 128
OUT = 16


def setup_inputs(seed: int = 0) -> dict:
    key = jax.random.key(seed)
    ks = jax.random.split(key, 10)
    x_cat = jax.random.randint(ks[0], (B, F), 0, V, dtype=jnp.int64 if jax.config.read('jax_enable_x64') else jnp.int32)
    x_num = jax.random.normal(ks[1], (B, NUM), dtype=jnp.float32)
    emb = jax.random.normal(ks[2], (F, V, D), dtype=jnp.float32) * 0.02
    W1 = jax.random.normal(ks[3], (F * D, H1), dtype=jnp.float32) * 0.02
    b1 = jnp.zeros((H1,), dtype=jnp.float32)
    W2 = jax.random.normal(ks[4], (H1, H2), dtype=jnp.float32) * 0.02
    b2 = jnp.zeros((H2,), dtype=jnp.float32)
    W3 = jax.random.normal(ks[5], (H2 + NUM, OUT), dtype=jnp.float32) * 0.02
    b3 = jnp.zeros((OUT,), dtype=jnp.float32)
    return {"x_cat": x_cat, "x_num": x_num, "emb": emb,
            "W1": W1, "b1": b1, "W2": W2, "b2": b2, "W3": W3, "b3": b3}


def reference(x_cat, x_num, emb, W1, b1, W2, b2, W3, b3):
    # per-field embedding lookup: emb[i][x_cat[:, i]] for each field i
    field_idx = jnp.arange(F)[None, :]            # [1, F]
    embedded = emb[field_idx, x_cat]              # [B, F, D]
    x_deep = embedded.reshape(x_cat.shape[0], F * D)
    h = jax.nn.relu(x_deep @ W1 + b1)
    # dropout_p = 0.0 -> identity
    h = jax.nn.relu(h @ W2 + b2)
    x_final = jnp.concatenate([h, x_num], axis=1)
    out = x_final @ W3 + b3
    return out

if __name__ == "__main__":
    import jax
    _d = setup_inputs()
    print(jax.jit(kernel)(*tuple(_d.values())))

</pallas_src>

<mosaic_0001>
#map = affine_map<(d0, d1) -> (0, 0)>
#map1 = affine_map<(d0, d1) -> (0, 0, 0)>
module attributes {stable_mosaic.version = 14 : i64} {
  func.func @k(%arg0: i32, %arg1: i32, %arg2: memref<2600000x32xf32, #tpu.memory_space<hbm>>, %arg3: memref<32x8x1664xi32, #tpu.memory_space<hbm>>, %arg4: memref<425984x32xf32, #tpu.memory_space<hbm>>, %arg5: memref<8x1664xi32, #tpu.memory_space<vmem>>, %arg6: memref<1664x32xf32, #tpu.memory_space<vmem>>, %arg7: memref<!tpu.dma_semaphore, #tpu.memory_space<semaphore_mem>>) attributes {dimension_semantics = [#tpu.dimension_semantics<core_parallel>, #tpu.dimension_semantics<subcore_parallel>], iteration_bounds = array<i64: 2, 16>, scalar_prefetch = 0 : i64, scratch_operands = 3 : i64, tpu.core_type = #tpu.core_type<sc_vector_subcore>, window_params = [{transform_indices = #map}, {transform_indices = #map1}, {transform_indices = #map}]} {
    %mul3A = arith.constant 2 : i32
    %mul3A_0 = arith.muli %arg1, %mul3A : i32
    %add3A = arith.addi %mul3A_0, %arg0 : i32
    "tpu.region"() ({
      %run_scoped3A = tpu.sem_alloc : memref<!tpu.dma_semaphore, #tpu.memory_space<semaphore_mem>>
      %dma_start3A = arith.constant 0 : i32
      %dma_start3A_7 = arith.constant 0 : i32
      %dma_start3A_8 = tpu.memref_slice %arg3[%add3A, %dma_start3A, %dma_start3A_7] : memref<32x8x1664xi32, #tpu.memory_space<hbm>> -> memref<1x8x1664xi32, #tpu.memory_space<hbm>>
      %dma_start3A_9 = tpu.memref_squeeze %dma_start3A_8 : memref<1x8x1664xi32, #tpu.memory_space<hbm>> -> memref<8x1664xi32, #tpu.memory_space<hbm>>
      %dma_start3A_10 = arith.constant 0 : i32
      %dma_start3A_11 = arith.constant 0 : i32
      %dma_start3A_12 = tpu.memref_slice %arg3[%add3A, %dma_start3A_10, %dma_start3A_11] : memref<32x8x1664xi32, #tpu.memory_space<hbm>> -> memref<1x8x1664xi32, #tpu.memory_space<hbm>>
      %dma_start3A_13 = tpu.memref_squeeze %dma_start3A_12 : memref<1x8x1664xi32, #tpu.memory_space<hbm>> -> memref<8x1664xi32, #tpu.memory_space<hbm>>
      tpu.enqueue_dma source(%dma_start3A_13 : memref<8x1664xi32, #tpu.memory_space<hbm>>) target(%arg5 : memref<8x1664xi32, #tpu.memory_space<vmem>>) target_semaphore(%run_scoped3A : memref<!tpu.dma_semaphore, #tpu.memory_space<semaphore_mem>>)
      %dma_wait3A = arith.constant 0 : i32
      %dma_wait3A_14 = arith.constant 0 : i32
      %dma_wait3A_15 = tpu.memref_slice %arg3[%add3A, %dma_wait3A, %dma_wait3A_14] : memref<32x8x1664xi32, #tpu.memory_space<hbm>> -> memref<1x8x1664xi32, #tpu.memory_space<hbm>>
      %dma_wait3A_16 = tpu.memref_squeeze %dma_wait3A_15 : memref<1x8x1664xi32, #tpu.memory_space<hbm>> -> memref<8x1664xi32, #tpu.memory_space<hbm>>
      %dma_wait3A_17 = arith.constant 0 : i32
      %dma_wait3A_18 = arith.constant 0 : i32
      %dma_wait3A_19 = tpu.memref_slice %arg3[%add3A, %dma_wait3A_17, %dma_wait3A_18] : memref<32x8x1664xi32, #tpu.memory_space<hbm>> -> memref<1x8x1664xi32, #tpu.memory_space<hbm>>
      %dma_wait3A_20 = tpu.memref_squeeze %dma_wait3A_19 : memref<1x8x1664xi32, #tpu.memory_space<hbm>> -> memref<8x1664xi32, #tpu.memory_space<hbm>>
      tpu.wait_dma2 semaphore(%run_scoped3A : memref<!tpu.dma_semaphore, #tpu.memory_space<semaphore_mem>>) src(%dma_wait3A_20 : memref<8x1664xi32, #tpu.memory_space<hbm>>) dst(%arg5 : memref<8x1664xi32, #tpu.memory_space<vmem>>)
      tpu.yield
    }) : () -> ()
    %mul3A_1 = arith.constant 13312 : i32
    %mul3A_2 = arith.muli %add3A, %mul3A_1 : i32
    %scan3A = arith.constant 0 : i32
    %scan3A_3 = arith.constant 8 : i32
    %scan3A_4 = arith.addi %scan3A, %scan3A_3 : i32
    %scan3A_5 = arith.constant 1 : i32
    scf.for %scan3A_7 = %scan3A to %scan3A_4 step %scan3A_5  : i32 {
      %mul3A_8 = arith.constant 1 : i32
      %mul3A_9 = arith.muli %scan3A_7, %mul3A_8 : i32
      %add3A_10 = arith.constant 0 : i32
      %add3A_11 = arith.addi %add3A_10, %mul3A_9 : i32
      %dma_start3A = arith.constant 0 : i32
      %dma_start3A_12 = arith.constant 0 : i32
      %dma_start3A_13 = tpu.memref_slice %arg6[%dma_start3A, %dma_start3A_12] : memref<1664x32xf32, #tpu.memory_space<vmem>> -> memref<128x32xf32, #tpu.memory_space<vmem>>
      %dma_start3A_14 = arith.constant 0 : i32
      %dma_start3A_15 = tpu.memref_slice %arg5[%add3A_11, %dma_start3A_14] : memref<8x1664xi32, #tpu.memory_space<vmem>> -> memref<1x128xi32, #tpu.memory_space<vmem>>
      %dma_start3A_16 = tpu.memref_squeeze %dma_start3A_15 : memref<1x128xi32, #tpu.memory_space<vmem>> -> memref<128xi32, #tpu.memory_space<vmem>>
      %dma_start3A_17 = arith.constant 0 : i32
      %dma_start3A_18 = arith.constant 0 : i32
      %dma_start3A_19 = tpu.memref_slice %arg2[%dma_start3A_17, %dma_start3A_18] : memref<2600000x32xf32, #tpu.memory_space<hbm>> -> memref<2600000x32xf32, #tpu.memory_space<hbm>>
      tpu.enqueue_indirect_dma source(%dma_start3A_19 : memref<2600000x32xf32, #tpu.memory_space<hbm>>) target(%dma_start3A_13 : memref<128x32xf32, #tpu.memory_space<vmem>>) offsets(%dma_start3A_16 : memref<128xi32, #tpu.memory_space<vmem>>) semaphore(%arg7 : memref<!tpu.dma_semaphore, #tpu.memory_space<semaphore_mem>>)
      %dma_start3A_20 = arith.constant 128 : i32
      %dma_start3A_21 = arith.constant 0 : i32
      %dma_start3A_22 = tpu.memref_slice %arg6[%dma_start3A_20, %dma_start3A_21] : memref<1664x32xf32, #tpu.memory_space<vmem>> -> memref<128x32xf32, #tpu.memory_space<vmem>>
      %dma_start3A_23 = arith.constant 128 : i32
      %dma_start3A_24 = tpu.memref_slice %arg5[%add3A_11, %dma_start3A_23] : memref<8x1664xi32, #tpu.memory_space<vmem>> -> memref<1x128xi32, #tpu.memory_space<vmem>>
      %dma_start3A_25 = tpu.memref_squeeze %dma_start3A_24 : memref<1x128xi32, #tpu.memory_space<vmem>> -> memref<128xi32, #tpu.memory_space<vmem>>
      %dma_start3A_26 = arith.constant 0 : i32
      %dma_start3A_27 = arith.constant 0 : i32
      %dma_start3A_28 = tpu.memref_slice %arg2[%dma_start3A_26, %dma_start3A_27] : memref<2600000x32xf32, #tpu.memory_space<hbm>> -> memref<2600000x32xf32, #tpu.memory_space<hbm>>
      tpu.enqueue_indirect_dma source(%dma_start3A_28 : memref<2600000x32xf32, #tpu.memory_space<hbm>>) target(%dma_start3A_22 : memref<128x32xf32, #tpu.memory_space<vmem>>) offsets(%dma_start3A_25 : memref<128xi32, #tpu.memory_space<vmem>>) semaphore(%arg7 : memref<!tpu.dma_semaphore, #tpu.memory_space<semaphore_mem>>)
      %dma_start3A_29 = arith.constant 256 : i32
      %dma_start3A_30 = arith.constant 0 : i32
      %dma_start3A_31 = tpu.memref_slice %arg6[%dma_start3A_29, %dma_start3A_30] : memref<1664x32xf32, #tpu.memory_space<vmem>> -> memref<128x32xf32, #tpu.memory_space<vmem>>
      %dma_start3A_32 = arith.constant 256 : i32
      %dma_start3A_33 = tpu.memref_slice %arg5[%add3A_11, %dma_start3A_32] : memref<8x1664xi32, #tpu.memory_space<vmem>> -> memref<1x128xi32, #tpu.memory_space<vmem>>
      %dma_start3A_34 = tpu.memref_squeeze %dma_start3A_33 : memref<1x128xi32, #tpu.memory_space<vmem>> -> memref<128xi32, #tpu.memory_space<vmem>>
      %dma_start3A_35 = arith.constant 0 : i32
      %dma_start3A_36 = arith.constant 0 : i32
      %dma_start3A_37 = tpu.memref_slice %arg2[%dma_start3A_35, %dma_start3A_36] : memref<2600000x32xf32, #tpu.memory_space<hbm>> -> memref<2600000x32xf32, #tpu.memory_space<hbm>>
      tpu.enqueue_indirect_dma source(%dma_start3A_37 : memref<2600000x32xf32, #tpu.memory_space<hbm>>) target(%dma_start3A_31 : memref<128x32xf32, #tpu.memory_space<vmem>>) offsets(%dma_start3A_34 : memref<128xi32, #tpu.memory_space<vmem>>) semaphore(%arg7 : memref<!tpu.dma_semaphore, #tpu.memory_space<semaphore_mem>>)
      %dma_start3A_38 = arith.constant 384 : i32
      %dma_start3A_39 = arith.constant 0 : i32
      %dma_start3A_40 = tpu.memref_slice %arg6[%dma_start3A_38, %dma_start3A_39] : memref<1664x32xf32, #tpu.memory_space<vmem>> -> memref<128x32xf32, #tpu.memory_space<vmem>>
      %dma_start3A_41 = arith.constant 384 : i32
      %dma_start3A_42 = tpu.memref_slice %arg5[%add3A_11, %dma_start3A_41] : memref<8x1664xi32, #tpu.memory_space<vmem>> -> memref<1x128xi32, #tpu.memory_space<vmem>>
      %dma_start3A_43 = tpu.memref_squeeze %dma_start3A_42 : memref<1x128xi32, #tpu.memory_space<vmem>> -> memref<128xi32, #tpu.memory_space<vmem>>
      %dma_start3A_44 = arith.constant 0 : i32
      %dma_start3A_45 = arith.constant 0 : i32
      %dma_start3A_46 = tpu.memref_slice %arg2[%dma_start3A_44, %dma_start3A_45] : memref<2600000x32xf32, #tpu.memory_space<hbm>> -> memref<2600000x32xf32, #tpu.memory_space<hbm>>
      tpu.enqueue_indirect_dma source(%dma_start3A_46 : memref<2600000x32xf32, #tpu.memory_space<hbm>>) target(%dma_start3A_40 : memref<128x32xf32, #tpu.memory_space<vmem>>) offsets(%dma_start3A_43 : memref<128xi32, #tpu.memory_space<vmem>>) semaphore(%arg7 : memref<!tpu.dma_semaphore, #tpu.memory_space<semaphore_mem>>)
      %dma_start3A_47 = arith.constant 512 : i32
      %dma_start3A_48 = arith.constant 0 : i32
      %dma_start3A_49 = tpu.memref_slice %arg6[%dma_start3A_47, %dma_start3A_48] : memref<1664x32xf32, #tpu.memory_space<vmem>> -> memref<128x32xf32, #tpu.memory_space<vmem>>
      %dma_start3A_50 = arith.constant 512 : i32
      %dma_start3A_51 = tpu.memref_slice %arg5[%add3A_11, %dma_start3A_50] : memref<8x1664xi32, #tpu.memory_space<vmem>> -> memref<1x128xi32, #tpu.memory_space<vmem>>
      %dma_start3A_52 = tpu.memref_squeeze %dma_start3A_51 : memref<1x128xi32, #tpu.memory_space<vmem>> -> memref<128xi32, #tpu.memory_space<vmem>>
      %dma_start3A_53 = arith.constant 0 : i32
      %dma_start3A_54 = arith.constant 0 : i32
      %dma_start3A_55 = tpu.memref_slice %arg2[%dma_start3A_53, %dma_start3A_54] : memref<2600000x32xf32, #tpu.memory_space<hbm>> -> memref<2600000x32xf32, #tpu.memory_space<hbm>>
      tpu.enqueue_indirect_dma source(%dma_start3A_55 : memref<2600000x32xf32, #tpu.memory_space<hbm>>) target(%dma_start3A_49 : memref<128x32xf32, #tpu.memory_space<vmem>>) offsets(%dma_start3A_52 : memref<128xi32, #tpu.memory_space<vmem>>) semaphore(%arg7 : memref<!tpu.dma_semaphore, #tpu.memory_space<semaphore_mem>>)
      %dma_start3A_56 = arith.constant 640 : i32
      %dma_start3A_57 = arith.constant 0 : i32
      %dma_start3A_58 = tpu.memref_slice %arg6[%dma_start3A_56, %dma_start3A_57] : memref<1664x32xf32, #tpu.memory_space<vmem>> -> memref<128x32xf32, #tpu.memory_space<vmem>>
      %dma_start3A_59 = arith.constant 640 : i32
      %dma_start3A_60 = tpu.memref_slice %arg5[%add3A_11, %dma_start3A_59] : memref<8x1664xi32, #tpu.memory_space<vmem>> -> memref<1x128xi32, #tpu.memory_space<vmem>>
      %dma_start3A_61 = tpu.memref_squeeze %dma_start3A_60 : memref<1x128xi32, #tpu.memory_space<vmem>> -> memref<128xi32, #tpu.memory_space<vmem>>
      %dma_start3A_62 = arith.constant 0 : i32
      %dma_start3A_63 = arith.constant 0 : i32
      %dma_start3A_64 = tpu.memref_slice %arg2[%dma_start3A_62, %dma_start3A_63] : memref<2600000x32xf32, #tpu.memory_space<hbm>> -> memref<2600000x32xf32, #tpu.memory_space<hbm>>
      tpu.enqueue_indirect_dma source(%dma_start3A_64 : memref<2600000x32xf32, #tpu.memory_space<hbm>>) target(%dma_start3A_58 : memref<128x32xf32, #tpu.memory_space<vmem>>) offsets(%dma_start3A_61 : memref<128xi32, #tpu.memory_space<vmem>>) semaphore(%arg7 : memref<!tpu.dma_semaphore, #tpu.memory_space<semaphore_mem>>)
      %dma_start3A_65 = arith.constant 768 : i32
      %dma_start3A_66 = arith.constant 0 : i32
      %dma_start3A_67 = tpu.memref_slice %arg6[%dma_start3A_65, %dma_start3A_66] : memref<1664x32xf32, #tpu.memory_space<vmem>> -> memref<128x32xf32, #tpu.memory_space<vmem>>
      %dma_start3A_68 = arith.constant 768 : i32
      %dma_start3A_69 = tpu.memref_slice %arg5[%add3A_11, %dma_start3A_68] : memref<8x1664xi32, #tpu.memory_space<vmem>> -> memref<1x128xi32, #tpu.memory_space<vmem>>
      %dma_start3A_70 = tpu.memref_squeeze %dma_start3A_69 : memref<1x128xi32, #tpu.memory_space<vmem>> -> memref<128xi32, #tpu.memory_space<vmem>>
      %dma_start3A_71 = arith.constant 0 : i32
      %dma_start3A_72 = arith.constant 0 : i32
      %dma_start3A_73 = tpu.memref_slice %arg2[%dma_start3A_71, %dma_start3A_72] : memref<2600000x32xf32, #tpu.memory_space<hbm>> -> memref<2600000x32xf32, #tpu.memory_space<hbm>>
      tpu.enqueue_indirect_dma source(%dma_start3A_73 : memref<2600000x32xf32, #tpu.memory_space<hbm>>) target(%dma_start3A_67 : memref<128x32xf32, #tpu.memory_space<vmem>>) offsets(%dma_start3A_70 : memref<128xi32, #tpu.memory_space<vmem>>) semaphore(%arg7 : memref<!tpu.dma_semaphore, #tpu.memory_space<semaphore_mem>>)
      %dma_start3A_74 = arith.constant 896 : i32
      %dma_start3A_75 = arith.constant 0 : i32
      %dma_start3A_76 = tpu.memref_slice %arg6[%dma_start3A_74, %dma_start3A_75] : memref<1664x32xf32, #tpu.memory_space<vmem>> -> memref<128x32xf32, #tpu.memory_space<vmem>>
      %dma_start3A_77 = arith.constant 896 : i32
      %dma_start3A_78 = tpu.memref_slice %arg5[%add3A_11, %dma_start3A_77] : memref<8x1664xi32, #tpu.memory_space<vmem>> -> memref<1x128xi32, #tpu.memory_space<vmem>>
      %dma_start3A_79 = tpu.memref_squeeze %dma_start3A_78 : memref<1x128xi32, #tpu.memory_space<vmem>> -> memref<128xi32, #tpu.memory_space<vmem>>
      %dma_start3A_80 = arith.constant 0 : i32
      %dma_start3A_81 = arith.constant 0 : i32
      %dma_start3A_82 = tpu.memref_slice %arg2[%dma_start3A_80, %dma_start3A_81] : memref<2600000x32xf32, #tpu.memory_space<hbm>> -> memref<2600000x32xf32, #tpu.memory_space<hbm>>
      tpu.enqueue_indirect_dma source(%dma_start3A_82 : memref<2600000x32xf32, #tpu.memory_space<hbm>>) target(%dma_start3A_76 : memref<128x32xf32, #tpu.memory_space<vmem>>) offsets(%dma_start3A_79 : memref<128xi32, #tpu.memory_space<vmem>>) semaphore(%arg7 : memref<!tpu.dma_semaphore, #tpu.memory_space<semaphore_mem>>)
      %dma_start3A_83 = arith.constant 1024 : i32
      %dma_start3A_84 = arith.constant 0 : i32
      %dma_start3A_85 = tpu.memref_slice %arg6[%dma_start3A_83, %dma_start3A_84] : memref<1664x32xf32, #tpu.memory_space<vmem>> -> memref<128x32xf32, #tpu.memory_space<vmem>>
      %dma_start3A_86 = arith.constant 1024 : i32
      %dma_start3A_87 = tpu.memref_slice %arg5[%add3A_11, %dma_start3A_86] : memref<8x1664xi32, #tpu.memory_space<vmem>> -> memref<1x128xi32, #tpu.memory_space<vmem>>
      %dma_start3A_88 = tpu.memref_squeeze %dma_start3A_87 : memref<1x128xi32, #tpu.memory_space<vmem>> -> memref<128xi32, #tpu.memory_space<vmem>>
      %dma_start3A_89 = arith.constant 0 : i32
      %dma_start3A_90 = arith.constant 0 : i32
      %dma_start3A_91 = tpu.memref_slice %arg2[%dma_start3A_89, %dma_start3A_90] : memref<2600000x32xf32, #tpu.memory_space<hbm>> -> memref<2600000x32xf32, #tpu.memory_space<hbm>>
      tpu.enqueue_indirect_dma source(%dma_start3A_91 : memref<2600000x32xf32, #tpu.memory_space<hbm>>) target(%dma_start3A_85 : memref<128x32xf32, #tpu.memory_space<vmem>>) offsets(%dma_start3A_88 : memref<128xi32, #tpu.memory_space<vmem>>) semaphore(%arg7 : memref<!tpu.dma_semaphore, #tpu.memory_space<semaphore_mem>>)
      %dma_start3A_92 = arith.constant 1152 : i32
      %dma_start3A_93 = arith.constant 0 : i32
      %dma_start3A_94 = tpu.memref_slice %arg6[%dma_start3A_92, %dma_start3A_93] : memref<1664x32xf32, #tpu.memory_space<vmem>> -> memref<128x32xf32, #tpu.memory_space<vmem>>
      %dma_start3A_95 = arith.constant 1152 : i32
      %dma_start3A_96 = tpu.memref_slice %arg5[%add3A_11, %dma_start3A_95] : memref<8x1664xi32, #tpu.memory_space<vmem>> -> memref<1x128xi32, #tpu.memory_space<vmem>>
      %dma_start3A_97 = tpu.memref_squeeze %dma_start3A_96 : memref<1x128xi32, #tpu.memory_space<vmem>> -> memref<128xi32, #tpu.memory_space<vmem>>
      %dma_start3A_98 = arith.constant 0 : i32
      %dma_start3A_99 = arith.constant 0 : i32
      %dma_start3A_100 = tpu.memref_slice %arg2[%dma_start3A_98, %dma_start3A_99] : memref<2600000x32xf32, #tpu.memory_space<hbm>> -> memref<2600000x32xf32, #tpu.memory_space<hbm>>
      tpu.enqueue_indirect_dma source(%dma_start3A_100 : memref<2600000x32xf32, #tpu.memory_space<hbm>>) target(%dma_start3A_94 : memref<128x32xf32, #tpu.memory_space<vmem>>) offsets(%dma_start3A_97 : memref<128xi32, #tpu.memory_space<vmem>>) semaphore(%arg7 : memref<!tpu.dma_semaphore, #tpu.memory_space<semaphore_mem>>)
      %dma_start3A_101 = arith.constant 1280 : i32
      %dma_start3A_102 = arith.constant 0 : i32
      %dma_start3A_103 = tpu.memref_slice %arg6[%dma_start3A_101, %dma_start3A_102] : memref<1664x32xf32, #tpu.memory_space<vmem>> -> memref<128x32xf32, #tpu.memory_space<vmem>>
      %dma_start3A_104 = arith.constant 1280 : i32
      %dma_start3A_105 = tpu.memref_slice %arg5[%add3A_11, %dma_start3A_104] : memref<8x1664xi32, #tpu.memory_space<vmem>> -> memref<1x128xi32, #tpu.memory_space<vmem>>
      %dma_start3A_106 = tpu.memref_squeeze %dma_start3A_105 : memref<1x128xi32, #tpu.memory_space<vmem>> -> memref<128xi32, #tpu.memory_space<vmem>>
      %dma_start3A_107 = arith.constant 0 : i32
      %dma_start3A_108 = arith.constant 0 : i32
      %dma_start3A_109 = tpu.memref_slice %arg2[%dma_start3A_107, %dma_start3A_108] : memref<2600000x32xf32, #tpu.memory_space<hbm>> -> memref<2600000x32xf32, #tpu.memory_space<hbm>>
      tpu.enqueue_indirect_dma source(%dma_start3A_109 : memref<2600000x32xf32, #tpu.memory_space<hbm>>) target(%dma_start3A_103 : memref<128x32xf32, #tpu.memory_space<vmem>>) offsets(%dma_start3A_106 : memref<128xi32, #tpu.memory_space<vmem>>) semaphore(%arg7 : memref<!tpu.dma_semaphore, #tpu.memory_space<semaphore_mem>>)
      %dma_start3A_110 = arith.constant 1408 : i32
      %dma_start3A_111 = arith.constant 0 : i32
      %dma_start3A_112 = tpu.memref_slice %arg6[%dma_start3A_110, %dma_start3A_111] : memref<1664x32xf32, #tpu.memory_space<vmem>> -> memref<128x32xf32, #tpu.memory_space<vmem>>
      %dma_start3A_113 = arith.constant 1408 : i32
      %dma_start3A_114 = tpu.memref_slice %arg5[%add3A_11, %dma_start3A_113] : memref<8x1664xi32, #tpu.memory_space<vmem>> -> memref<1x128xi32, #tpu.memory_space<vmem>>
      %dma_start3A_115 = tpu.memref_squeeze %dma_start3A_114 : memref<1x128xi32, #tpu.memory_space<vmem>> -> memref<128xi32, #tpu.memory_space<vmem>>
      %dma_start3A_116 = arith.constant 0 : i32
      %dma_start3A_117 = arith.constant 0 : i32
      %dma_start3A_118 = tpu.memref_slice %arg2[%dma_start3A_116, %dma_start3A_117] : memref<2600000x32xf32, #tpu.memory_space<hbm>> -> memref<2600000x32xf32, #tpu.memory_space<hbm>>
      tpu.enqueue_indirect_dma source(%dma_start3A_118 : memref<2600000x32xf32, #tpu.memory_space<hbm>>) target(%dma_start3A_112 : memref<128x32xf32, #tpu.memory_space<vmem>>) offsets(%dma_start3A_115 : memref<128xi32, #tpu.memory_space<vmem>>) semaphore(%arg7 : memref<!tpu.dma_semaphore, #tpu.memory_space<semaphore_mem>>)
      %dma_start3A_119 = arith.constant 1536 : i32
      %dma_start3A_120 = arith.constant 0 : i32
      %dma_start3A_121 = tpu.memref_slice %arg6[%dma_start3A_119, %dma_start3A_120] : memref<1664x32xf32, #tpu.memory_space<vmem>> -> memref<128x32xf32, #tpu.memory_space<vmem>>
      %dma_start3A_122 = arith.constant 1536 : i32
      %dma_start3A_123 = tpu.memref_slice %arg5[%add3A_11, %dma_start3A_122] : memref<8x1664xi32, #tpu.memory_space<vmem>> -> memref<1x128xi32, #tpu.memory_space<vmem>>
      %dma_start3A_124 = tpu.memref_squeeze %dma_start3A_123 : memref<1x128xi32, #tpu.memory_space<vmem>> -> memref<128xi32, #tpu.memory_space<vmem>>
      %dma_start3A_125 = arith.constant 0 : i32
      %dma_start3A_126 = arith.constant 0 : i32
      %dma_start3A_127 = tpu.memref_slice %arg2[%dma_start3A_125, %dma_start3A_126] : memref<2600000x32xf32, #tpu.memory_space<hbm>> -> memref<2600000x32xf32, #tpu.memory_space<hbm>>
      tpu.enqueue_indirect_dma source(%dma_start3A_127 : memref<2600000x32xf32, #tpu.memory_space<hbm>>) target(%dma_start3A_121 : memref<128x32xf32, #tpu.memory_space<vmem>>) offsets(%dma_start3A_124 : memref<128xi32, #tpu.memory_space<vmem>>) semaphore(%arg7 : memref<!tpu.dma_semaphore, #tpu.memory_space<semaphore_mem>>)
      %dma_wait3A = arith.constant 0 : i32
      %dma_wait3A_128 = arith.constant 0 : i32
      %dma_wait3A_129 = tpu.memref_slice %arg6[%dma_wait3A, %dma_wait3A_128] : memref<1664x32xf32, #tpu.memory_space<vmem>> -> memref<128x32xf32, #tpu.memory_space<vmem>>
      %dma_wait3A_130 = arith.constant 0 : i32
      %dma_wait3A_131 = tpu.memref_slice %arg5[%add3A_11, %dma_wait3A_130] : memref<8x1664xi32, #tpu.memory_space<vmem>> -> memref<1x128xi32, #tpu.memory_space<vmem>>
      %dma_wait3A_132 = tpu.memref_squeeze %dma_wait3A_131 : memref<1x128xi32, #tpu.memory_space<vmem>> -> memref<128xi32, #tpu.memory_space<vmem>>
      %dma_wait3A_133 = arith.constant 0 : i32
      %dma_wait3A_134 = arith.constant 0 : i32
      %dma_wait3A_135 = tpu.memref_slice %arg2[%dma_wait3A_133, %dma_wait3A_134] : memref<2600000x32xf32, #tpu.memory_space<hbm>> -> memref<2600000x32xf32, #tpu.memory_space<hbm>>
      tpu.wait_indirect_dma semaphore(%arg7 : memref<!tpu.dma_semaphore, #tpu.memory_space<semaphore_mem>>) src(%dma_wait3A_135 : memref<2600000x32xf32, #tpu.memory_space<hbm>>) dst(%dma_wait3A_129 : memref<128x32xf32, #tpu.memory_space<vmem>>)
      %dma_wait3A_136 = arith.constant 128 : i32
      %dma_wait3A_137 = arith.constant 0 : i32
      %dma_wait3A_138 = tpu.memref_slice %arg6[%dma_wait3A_136, %dma_wait3A_137] : memref<1664x32xf32, #tpu.memory_space<vmem>> -> memref<128x32xf32, #tpu.memory_space<vmem>>
      %dma_wait3A_139 = arith.constant 128 : i32
      %dma_wait3A_140 = tpu.memref_slice %arg5[%add3A_11, %dma_wait3A_139] : memref<8x1664xi32, #tpu.memory_space<vmem>> -> memref<1x128xi32, #tpu.memory_space<vmem>>
      %dma_wait3A_141 = tpu.memref_squeeze %dma_wait3A_140 : memref<1x128xi32, #tpu.memory_space<vmem>> -> memref<128xi32, #tpu.memory_space<vmem>>
      %dma_wait3A_142 = arith.constant 0 : i32
      %dma_wait3A_143 = arith.constant 0 : i32
      %dma_wait3A_144 = tpu.memref_slice %arg2[%dma_wait3A_142, %dma_wait3A_143] : memref<2600000x32xf32, #tpu.memory_space<hbm>> -> memref<2600000x32xf32, #tpu.memory_space<hbm>>
      tpu.wait_indirect_dma semaphore(%arg7 : memref<!tpu.dma_semaphore, #tpu.memory_space<semaphore_mem>>) src(%dma_wait3A_144 : memref<2600000x32xf32, #tpu.memory_space<hbm>>) dst(%dma_wait3A_138 : memref<128x32xf32, #tpu.memory_space<vmem>>)
      %dma_wait3A_145 = arith.constant 256 : i32
      %dma_wait3A_146 = arith.constant 0 : i32
      %dma_wait3A_147 = tpu.memref_slice %arg6[%dma_wait3A_145, %dma_wait3A_146] : memref<1664x32xf32, #tpu.memory_space<vmem>> -> memref<128x32xf32, #tpu.memory_space<vmem>>
      %dma_wait3A_148 = arith.constant 256 : i32
      %dma_wait3A_149 = tpu.memref_slice %arg5[%add3A_11, %dma_wait3A_148] : memref<8x1664xi32, #tpu.memory_space<vmem>> -> memref<1x128xi32, #tpu.memory_space<vmem>>
      %dma_wait3A_150 = tpu.memref_squeeze %dma_wait3A_149 : memref<1x128xi32, #tpu.memory_space<vmem>> -> memref<128xi32, #tpu.memory_space<vmem>>
      %dma_wait3A_151 = arith.constant 0 : i32
      %dma_wait3A_152 = arith.constant 0 : i32
      %dma_wait3A_153 = tpu.memref_slice %arg2[%dma_wait3A_151, %dma_wait3A_152] : memref<2600000x32xf32, #tpu.memory_space<hbm>> -> memref<2600000x32xf32, #tpu.memory_space<hbm>>
      tpu.wait_indirect_dma semaphore(%arg7 : memref<!tpu.dma_semaphore, #tpu.memory_space<semaphore_mem>>) src(%dma_wait3A_153 : memref<2600000x32xf32, #tpu.memory_space<hbm>>) dst(%dma_wait3A_147 : memref<128x32xf32, #tpu.memory_space<vmem>>)
      %dma_wait3A_154 = arith.constant 384 : i32
      %dma_wait3A_155 = arith.constant 0 : i32
      %dma_wait3A_156 = tpu.memref_slice %arg6[%dma_wait3A_154, %dma_wait3A_155] : memref<1664x32xf32, #tpu.memory_space<vmem>> -> memref<128x32xf32, #tpu.memory_space<vmem>>
      %dma_wait3A_157 = arith.constant 384 : i32
      %dma_wait3A_158 = tpu.memref_slice %arg5[%add3A_11, %dma_wait3A_157] : memref<8x1664xi32, #tpu.memory_space<vmem>> -> memref<1x128xi32, #tpu.memory_space<vmem>>
      %dma_wait3A_159 = tpu.memref_squeeze %dma_wait3A_158 : memref<1x128xi32, #tpu.memory_space<vmem>> -> memref<128xi32, #tpu.memory_space<vmem>>
      %dma_wait3A_160 = arith.constant 0 : i32
      %dma_wait3A_161 = arith.constant 0 : i32
      %dma_wait3A_162 = tpu.memref_slice %arg2[%dma_wait3A_160, %dma_wait3A_161] : memref<2600000x32xf32, #tpu.memory_space<hbm>> -> memref<2600000x32xf32, #tpu.memory_space<hbm>>
      tpu.wait_indirect_dma semaphore(%arg7 : memref<!tpu.dma_semaphore, #tpu.memory_space<semaphore_mem>>) src(%dma_wait3A_162 : memref<2600000x32xf32, #tpu.memory_space<hbm>>) dst(%dma_wait3A_156 : memref<128x32xf32, #tpu.memory_space<vmem>>)
      %dma_wait3A_163 = arith.constant 512 : i32
      %dma_wait3A_164 = arith.constant 0 : i32
      %dma_wait3A_165 = tpu.memref_slice %arg6[%dma_wait3A_163, %dma_wait3A_164] : memref<1664x32xf32, #tpu.memory_space<vmem>> -> memref<128x32xf32, #tpu.memory_space<vmem>>
      %dma_wait3A_166 = arith.constant 512 : i32
      %dma_wait3A_167 = tpu.memref_slice %arg5[%add3A_11, %dma_wait3A_166] : memref<8x1664xi32, #tpu.memory_space<vmem>> -> memref<1x128xi32, #tpu.memory_space<vmem>>
      %dma_wait3A_168 = tpu.memref_squeeze %dma_wait3A_167 : memref<1x128xi32, #tpu.memory_space<vmem>> -> memref<128xi32, #tpu.memory_space<vmem>>
      %dma_wait3A_169 = arith.constant 0 : i32
      %dma_wait3A_170 = arith.constant 0 : i32
      %dma_wait3A_171 = tpu.memref_slice %arg2[%dma_wait3A_169, %dma_wait3A_170] : memref<2600000x32xf32, #tpu.memory_space<hbm>> -> memref<2600000x32xf32, #tpu.memory_space<hbm>>
      tpu.wait_indirect_dma semaphore(%arg7 : memref<!tpu.dma_semaphore, #tpu.memory_space<semaphore_mem>>) src(%dma_wait3A_171 : memref<2600000x32xf32, #tpu.memory_space<hbm>>) dst(%dma_wait3A_165 : memref<128x32xf32, #tpu.memory_space<vmem>>)
      %dma_wait3A_172 = arith.constant 640 : i32
      %dma_wait3A_173 = arith.constant 0 : i32
      %dma_wait3A_174 = tpu.memref_slice %arg6[%dma_wait3A_172, %dma_wait3A_173] : memref<1664x32xf32, #tpu.memory_space<vmem>> -> memref<128x32xf32, #tpu.memory_space<vmem>>
      %dma_wait3A_175 = arith.constant 640 : i32
      %dma_wait3A_176 = tpu.memref_slice %arg5[%add3A_11, %dma_wait3A_175] : memref<8x1664xi32, #tpu.memory_space<vmem>> -> memref<1x128xi32, #tpu.memory_space<vmem>>
      %dma_wait3A_177 = tpu.memref_squeeze %dma_wait3A_176 : memref<1x128xi32, #tpu.memory_space<vmem>> -> memref<128xi32, #tpu.memory_space<vmem>>
      %dma_wait3A_178 = arith.constant 0 : i32
      %dma_wait3A_179 = arith.constant 0 : i32
      %dma_wait3A_180 = tpu.memref_slice %arg2[%dma_wait3A_178, %dma_wait3A_179] : memref<2600000x32xf32, #tpu.memory_space<hbm>> -> memref<2600000x32xf32, #tpu.memory_space<hbm>>
      tpu.wait_indirect_dma semaphore(%arg7 : memref<!tpu.dma_semaphore, #tpu.memory_space<semaphore_mem>>) src(%dma_wait3A_180 : memref<2600000x32xf32, #tpu.memory_space<hbm>>) dst(%dma_wait3A_174 : memref<128x32xf32, #tpu.memory_space<vmem>>)
      %dma_wait3A_181 = arith.constant 768 : i32
      %dma_wait3A_182 = arith.constant 0 : i32
      %dma_wait3A_183 = tpu.memref_slice %arg6[%dma_wait3A_181, %dma_wait3A_182] : memref<1664x32xf32, #tpu.memory_space<vmem>> -> memref<128x32xf32, #tpu.memory_space<vmem>>
      %dma_wait3A_184 = arith.constant 768 : i32
      %dma_wait3A_185 = tpu.memref_slice %arg5[%add3A_11, %dma_wait3A_184] : memref<8x1664xi32, #tpu.memory_space<vmem>> -> memref<1x128xi32, #tpu.memory_space<vmem>>
      %dma_wait3A_186 = tpu.memref_squeeze %dma_wait3A_185 : memref<1x128xi32, #tpu.memory_space<vmem>> -> memref<128xi32, #tpu.memory_space<vmem>>
      %dma_wait3A_187 = arith.constant 0 : i32
      %dma_wait3A_188 = arith.constant 0 : i32
      %dma_wait3A_189 = tpu.memref_slice %arg2[%dma_wait3A_187, %dma_wait3A_188] : memref<2600000x32xf32, #tpu.memory_space<hbm>> -> memref<2600000x32xf32, #tpu.memory_space<hbm>>
      tpu.wait_indirect_dma semaphore(%arg7 : memref<!tpu.dma_semaphore, #tpu.memory_space<semaphore_mem>>) src(%dma_wait3A_189 : memref<2600000x32xf32, #tpu.memory_space<hbm>>) dst(%dma_wait3A_183 : memref<128x32xf32, #tpu.memory_space<vmem>>)
      %dma_wait3A_190 = arith.constant 896 : i32
      %dma_wait3A_191 = arith.constant 0 : i32
      %dma_wait3A_192 = tpu.memref_slice %arg6[%dma_wait3A_190, %dma_wait3A_191] : memref<1664x32xf32, #tpu.memory_space<vmem>> -> memref<128x32xf32, #tpu.memory_space<vmem>>
      %dma_wait3A_193 = arith.constant 896 : i32
      %dma_wait3A_194 = tpu.memref_slice %arg5[%add3A_11, %dma_wait3A_193] : memref<8x1664xi32, #tpu.memory_space<vmem>> -> memref<1x128xi32, #tpu.memory_space<vmem>>
      %dma_wait3A_195 = tpu.memref_squeeze %dma_wait3A_194 : memref<1x128xi32, #tpu.memory_space<vmem>> -> memref<128xi32, #tpu.memory_space<vmem>>
      %dma_wait3A_196 = arith.constant 0 : i32
      %dma_wait3A_197 = arith.constant 0 : i32
      %dma_wait3A_198 = tpu.memref_slice %arg2[%dma_wait3A_196, %dma_wait3A_197] : memref<2600000x32xf32, #tpu.memory_space<hbm>> -> memref<2600000x32xf32, #tpu.memory_space<hbm>>
      tpu.wait_indirect_dma semaphore(%arg7 : memref<!tpu.dma_semaphore, #tpu.memory_space<semaphore_mem>>) src(%dma_wait3A_198 : memref<2600000x32xf32, #tpu.memory_space<hbm>>) dst(%dma_wait3A_192 : memref<128x32xf32, #tpu.memory_space<vmem>>)
      %dma_wait3A_199 = arith.constant 1024 : i32
      %dma_wait3A_200 = arith.constant 0 : i32
      %dma_wait3A_201 = tpu.memref_slice %arg6[%dma_wait3A_199, %dma_wait3A_200] : memref<1664x32xf32, #tpu.memory_space<vmem>> -> memref<128x32xf32, #tpu.memory_space<vmem>>
      %dma_wait3A_202 = arith.constant 1024 : i32
      %dma_wait3A_203 = tpu.memref_slice %arg5[%add3A_11, %dma_wait3A_202] : memref<8x1664xi32, #tpu.memory_space<vmem>> -> memref<1x128xi32, #tpu.memory_space<vmem>>
      %dma_wait3A_204 = tpu.memref_squeeze %dma_wait3A_203 : memref<1x128xi32, #tpu.memory_space<vmem>> -> memref<128xi32, #tpu.memory_space<vmem>>
      %dma_wait3A_205 = arith.constant 0 : i32
      %dma_wait3A_206 = arith.constant 0 : i32
      %dma_wait3A_207 = tpu.memref_slice %arg2[%dma_wait3A_205, %dma_wait3A_206] : memref<2600000x32xf32, #tpu.memory_space<hbm>> -> memref<2600000x32xf32, #tpu.memory_space<hbm>>
      tpu.wait_indirect_dma semaphore(%arg7 : memref<!tpu.dma_semaphore, #tpu.memory_space<semaphore_mem>>) src(%dma_wait3A_207 : memref<2600000x32xf32, #tpu.memory_space<hbm>>) dst(%dma_wait3A_201 : memref<128x32xf32, #tpu.memory_space<vmem>>)
      %dma_wait3A_208 = arith.constant 1152 : i32
      %dma_wait3A_209 = arith.constant 0 : i32
      %dma_wait3A_210 = tpu.memref_slice %arg6[%dma_wait3A_208, %dma_wait3A_209] : memref<1664x32xf32, #tpu.memory_space<vmem>> -> memref<128x32xf32, #tpu.memory_space<vmem>>
      %dma_wait3A_211 = arith.constant 1152 : i32
      %dma_wait3A_212 = tpu.memref_slice %arg5[%add3A_11, %dma_wait3A_211] : memref<8x1664xi32, #tpu.memory_space<vmem>> -> memref<1x128xi32, #tpu.memory_space<vmem>>
      %dma_wait3A_213 = tpu.memref_squeeze %dma_wait3A_212 : memref<1x128xi32, #tpu.memory_space<vmem>> -> memref<128xi32, #tpu.memory_space<vmem>>
      %dma_wait3A_214 = arith.constant 0 : i32
      %dma_wait3A_215 = arith.constant 0 : i32
      %dma_wait3A_216 = tpu.memref_slice %arg2[%dma_wait3A_214, %dma_wait3A_215] : memref<2600000x32xf32, #tpu.memory_space<hbm>> -> memref<2600000x32xf32, #tpu.memory_space<hbm>>
      tpu.wait_indirect_dma semaphore(%arg7 : memref<!tpu.dma_semaphore, #tpu.memory_space<semaphore_mem>>) src(%dma_wait3A_216 : memref<2600000x32xf32, #tpu.memory_space<hbm>>) dst(%dma_wait3A_210 : memref<128x32xf32, #tpu.memory_space<vmem>>)
      %dma_wait3A_217 = arith.constant 1280 : i32
      %dma_wait3A_218 = arith.constant 0 : i32
      %dma_wait3A_219 = tpu.memref_slice %arg6[%dma_wait3A_217, %dma_wait3A_218] : memref<1664x32xf32, #tpu.memory_space<vmem>> -> memref<128x32xf32, #tpu.memory_space<vmem>>
      %dma_wait3A_220 = arith.constant 1280 : i32
      %dma_wait3A_221 = tpu.memref_slice %arg5[%add3A_11, %dma_wait3A_220] : memref<8x1664xi32, #tpu.memory_space<vmem>> -> memref<1x128xi32, #tpu.memory_space<vmem>>
      %dma_wait3A_222 = tpu.memref_squeeze %dma_wait3A_221 : memref<1x128xi32, #tpu.memory_space<vmem>> -> memref<128xi32, #tpu.memory_space<vmem>>
      %dma_wait3A_223 = arith.constant 0 : i32
      %dma_wait3A_224 = arith.constant 0 : i32
      %dma_wait3A_225 = tpu.memref_slice %arg2[%dma_wait3A_223, %dma_wait3A_224] : memref<2600000x32xf32, #tpu.memory_space<hbm>> -> memref<2600000x32xf32, #tpu.memory_space<hbm>>
      tpu.wait_indirect_dma semaphore(%arg7 : memref<!tpu.dma_semaphore, #tpu.memory_space<semaphore_mem>>) src(%dma_wait3A_225 : memref<2600000x32xf32, #tpu.memory_space<hbm>>) dst(%dma_wait3A_219 : memref<128x32xf32, #tpu.memory_space<vmem>>)
      %dma_wait3A_226 = arith.constant 1408 : i32
      %dma_wait3A_227 = arith.constant 0 : i32
      %dma_wait3A_228 = tpu.memref_slice %arg6[%dma_wait3A_226, %dma_wait3A_227] : memref<1664x32xf32, #tpu.memory_space<vmem>> -> memref<128x32xf32, #tpu.memory_space<vmem>>
      %dma_wait3A_229 = arith.constant 1408 : i32
      %dma_wait3A_230 = tpu.memref_slice %arg5[%add3A_11, %dma_wait3A_229] : memref<8x1664xi32, #tpu.memory_space<vmem>> -> memref<1x128xi32, #tpu.memory_space<vmem>>
      %dma_wait3A_231 = tpu.memref_squeeze %dma_wait3A_230 : memref<1x128xi32, #tpu.memory_space<vmem>> -> memref<128xi32, #tpu.memory_space<vmem>>
      %dma_wait3A_232 = arith.constant 0 : i32
      %dma_wait3A_233 = arith.constant 0 : i32
      %dma_wait3A_234 = tpu.memref_slice %arg2[%dma_wait3A_232, %dma_wait3A_233] : memref<2600000x32xf32, #tpu.memory_space<hbm>> -> memref<2600000x32xf32, #tpu.memory_space<hbm>>
      tpu.wait_indirect_dma semaphore(%arg7 : memref<!tpu.dma_semaphore, #tpu.memory_space<semaphore_mem>>) src(%dma_wait3A_234 : memref<2600000x32xf32, #tpu.memory_space<hbm>>) dst(%dma_wait3A_228 : memref<128x32xf32, #tpu.memory_space<vmem>>)
      %dma_wait3A_235 = arith.constant 1536 : i32
      %dma_wait3A_236 = arith.constant 0 : i32
      %dma_wait3A_237 = tpu.memref_slice %arg6[%dma_wait3A_235, %dma_wait3A_236] : memref<1664x32xf32, #tpu.memory_space<vmem>> -> memref<128x32xf32, #tpu.memory_space<vmem>>
      %dma_wait3A_238 = arith.constant 1536 : i32
      %dma_wait3A_239 = tpu.memref_slice %arg5[%add3A_11, %dma_wait3A_238] : memref<8x1664xi32, #tpu.memory_space<vmem>> -> memref<1x128xi32, #tpu.memory_space<vmem>>
      %dma_wait3A_240 = tpu.memref_squeeze %dma_wait3A_239 : memref<1x128xi32, #tpu.memory_space<vmem>> -> memref<128xi32, #tpu.memory_space<vmem>>
      %dma_wait3A_241 = arith.constant 0 : i32
      %dma_wait3A_242 = arith.constant 0 : i32
      %dma_wait3A_243 = tpu.memref_slice %arg2[%dma_wait3A_241, %dma_wait3A_242] : memref<2600000x32xf32, #tpu.memory_space<hbm>> -> memref<2600000x32xf32, #tpu.memory_space<hbm>>
      tpu.wait_indirect_dma semaphore(%arg7 : memref<!tpu.dma_semaphore, #tpu.memory_space<semaphore_mem>>) src(%dma_wait3A_243 : memref<2600000x32xf32, #tpu.memory_space<hbm>>) dst(%dma_wait3A_237 : memref<128x32xf32, #tpu.memory_space<vmem>>)
      %mul3A_244 = arith.constant 1664 : i32
      %mul3A_245 = arith.muli %add3A_11, %mul3A_244 : i32
      %add3A_246 = arith.addi %mul3A_2, %mul3A_245 : i32
      "tpu.region"() ({
        %run_scoped3A = tpu.sem_alloc : memref<!tpu.dma_semaphore, #tpu.memory_space<semaphore_mem>>
        %dma_start3A_247 = arith.constant 0 : i32
        %dma_start3A_248 = tpu.memref_slice %arg4[%add3A_246, %dma_start3A_247] : memref<425984x32xf32, #tpu.memory_space<hbm>> -> memref<1664x32xf32, #tpu.memory_space<hbm>>
        %dma_start3A_249 = arith.constant 0 : i32
        %dma_start3A_250 = tpu.memref_slice %arg4[%add3A_246, %dma_start3A_249] : memref<425984x32xf32, #tpu.memory_space<hbm>> -> memref<1664x32xf32, #tpu.memory_space<hbm>>
        tpu.enqueue_dma source(%arg6 : memref<1664x32xf32, #tpu.memory_space<vmem>>) target(%dma_start3A_250 : memref<1664x32xf32, #tpu.memory_space<hbm>>) target_semaphore(%run_scoped3A : memref<!tpu.dma_semaphore, #tpu.memory_space<semaphore_mem>>)
        %dma_wait3A_251 = arith.constant 0 : i32
        %dma_wait3A_252 = tpu.memref_slice %arg4[%add3A_246, %dma_wait3A_251] : memref<425984x32xf32, #tpu.memory_space<hbm>> -> memref<1664x32xf32, #tpu.memory_space<hbm>>
        %dma_wait3A_253 = arith.constant 0 : i32
        %dma_wait3A_254 = tpu.memref_slice %arg4[%add3A_246, %dma_wait3A_253] : memref<425984x32xf32, #tpu.memory_space<hbm>> -> memref<1664x32xf32, #tpu.memory_space<hbm>>
        tpu.wait_dma2 semaphore(%run_scoped3A : memref<!tpu.dma_semaphore, #tpu.memory_space<semaphore_mem>>) src(%arg6 : memref<1664x32xf32, #tpu.memory_space<vmem>>) dst(%dma_wait3A_254 : memref<1664x32xf32, #tpu.memory_space<hbm>>)
        tpu.yield
      }) : () -> ()
    }
    %scan3A_6 = arith.constant 8 : i32
    return
  }
}

module attributes {stable_mosaic.version = 14 : i64} {
  func.func @body(%arg0: i32, %arg1: memref<1024x832xf32, #tpu.memory_space<vmem>>, %arg2: memref<1024x16xf32, #tpu.memory_space<vmem>>, %arg3: memref<832x256xf32, #tpu.memory_space<vmem>>, %arg4: memref<1x256xf32, #tpu.memory_space<vmem>>, %arg5: memref<256x128xf32, #tpu.memory_space<vmem>>, %arg6: memref<1x128xf32, #tpu.memory_space<vmem>>, %arg7: memref<128x16xf32, #tpu.memory_space<vmem>>, %arg8: memref<16x16xf32, #tpu.memory_space<vmem>>, %arg9: memref<1x16xf32, #tpu.memory_space<vmem>>, %arg10: memref<1024x16xf32, #tpu.memory_space<vmem>>) attributes {dimension_semantics = [#tpu.dimension_semantics<arbitrary>], iteration_bounds = array<i64: 16>, scalar_prefetch = 0 : i64, scratch_operands = 0 : i64, tpu.core_type = #tpu.core_type<tc>, window_params = [{transform_indices = @transform_0, window_bounds = array<i64: 1024, 832>}, {transform_indices = @transform_1, window_bounds = array<i64: 1024, 16>}, {pipeline_mode = #tpu.pipeline_mode<synchronous>, transform_indices = @transform_2, window_bounds = array<i64: 832, 256>}, {pipeline_mode = #tpu.pipeline_mode<synchronous>, transform_indices = @transform_3, window_bounds = array<i64: 1, 256>}, {pipeline_mode = #tpu.pipeline_mode<synchronous>, transform_indices = @transform_4, window_bounds = array<i64: 256, 128>}, {pipeline_mode = #tpu.pipeline_mode<synchronous>, transform_indices = @transform_5, window_bounds = array<i64: 1, 128>}, {pipeline_mode = #tpu.pipeline_mode<synchronous>, transform_indices = @transform_6, window_bounds = array<i64: 128, 16>}, {pipeline_mode = #tpu.pipeline_mode<synchronous>, transform_indices = @transform_7, window_bounds = array<i64: 16, 16>}, {pipeline_mode = #tpu.pipeline_mode<synchronous>, transform_indices = @transform_8, window_bounds = array<i64: 1, 16>}, {transform_indices = @transform_9, window_bounds = array<i64: 1024, 16>}]} {
    %get3A = arith.constant 0 : index
    %get3A_0 = arith.constant 0 : index
    %get3A_1 = vector.load %arg1[%get3A, %get3A_0] : memref<1024x832xf32, #tpu.memory_space<vmem>>, vector<1024x832xf32>
    %get3A_2 = arith.constant 0 : index
    %get3A_3 = arith.constant 0 : index
    %get3A_4 = vector.load %arg3[%get3A_2, %get3A_3] : memref<832x256xf32, #tpu.memory_space<vmem>>, vector<832x256xf32>
    %dot_general3A = arith.constant dense<0.000000e+00> : vector<1024x256xf32>
    %dot_general3A_5 = tpu.matmul %get3A_1, %get3A_4, %dot_general3A {dimension_numbers = #tpu.dot_dimension_numbers<[1], [0], [0], [1], [0, 0, 1, 1], [], []>, transpose_lhs_hint = false} : vector<1024x832xf32>, vector<832x256xf32>, vector<1024x256xf32> -> vector<1024x256xf32>
    %get3A_6 = arith.constant 0 : index
    %get3A_7 = arith.constant 0 : index
    %get3A_8 = vector.load %arg4[%get3A_6, %get3A_7] : memref<1x256xf32, #tpu.memory_space<vmem>>, vector<1x256xf32>
    %add3A = vector.broadcast %get3A_8 : vector<1x256xf32> to vector<1024x256xf32>
    %add3A_9 = arith.addf %dot_general3A_5, %add3A : vector<1024x256xf32>
    %max3A = arith.constant 0.000000e+00 : f32
    %max3A_10 = vector.broadcast %max3A : f32 to vector<1024x256xf32>
    %max3A_11 = arith.maximumf %add3A_9, %max3A_10 : vector<1024x256xf32>
    %get3A_12 = arith.constant 0 : index
    %get3A_13 = arith.constant 0 : index
    %get3A_14 = vector.load %arg5[%get3A_12, %get3A_13] : memref<256x128xf32, #tpu.memory_space<vmem>>, vector<256x128xf32>
    %dot_general3A_15 = arith.constant dense<0.000000e+00> : vector<1024x128xf32>
    %dot_general3A_16 = tpu.matmul %max3A_11, %get3A_14, %dot_general3A_15 {dimension_numbers = #tpu.dot_dimension_numbers<[1], [0], [0], [1], [0, 0, 1, 1], [], []>, transpose_lhs_hint = false} : vector<1024x256xf32>, vector<256x128xf32>, vector<1024x128xf32> -> vector<1024x128xf32>
    %get3A_17 = arith.constant 0 : index
    %get3A_18 = arith.constant 0 : index
    %get3A_19 = vector.load %arg6[%get3A_17, %get3A_18] : memref<1x128xf32, #tpu.memory_space<vmem>>, vector<1x128xf32>
    %add3A_20 = vector.broadcast %get3A_19 : vector<1x128xf32> to vector<1024x128xf32>
    %add3A_21 = arith.addf %dot_general3A_16, %add3A_20 : vector<1024x128xf32>
    %max3A_22 = arith.constant 0.000000e+00 : f32
    %max3A_23 = vector.broadcast %max3A_22 : f32 to vector<1024x128xf32>
    %max3A_24 = arith.maximumf %add3A_21, %max3A_23 : vector<1024x128xf32>
    %get3A_25 = arith.constant 0 : index
    %get3A_26 = arith.constant 0 : index
    %get3A_27 = vector.load %arg7[%get3A_25, %get3A_26] : memref<128x16xf32, #tpu.memory_space<vmem>>, vector<128x16xf32>
    %dot_general3A_28 = arith.constant dense<0.000000e+00> : vector<1024x16xf32>
    %dot_general3A_29 = tpu.matmul %max3A_24, %get3A_27, %dot_general3A_28 {dimension_numbers = #tpu.dot_dimension_numbers<[1], [0], [0], [1], [0, 0, 1, 1], [], []>, transpose_lhs_hint = false} : vector<1024x128xf32>, vector<128x16xf32>, vector<1024x16xf32> -> vector<1024x16xf32>
    %get3A_30 = arith.constant 0 : index
    %get3A_31 = arith.constant 0 : index
    %get3A_32 = vector.load %arg2[%get3A_30, %get3A_31] : memref<1024x16xf32, #tpu.memory_space<vmem>>, vector<1024x16xf32>
    %get3A_33 = arith.constant 0 : index
    %get3A_34 = arith.constant 0 : index
    %get3A_35 = vector.load %arg8[%get3A_33, %get3A_34] : memref<16x16xf32, #tpu.memory_space<vmem>>, vector<16x16xf32>
    %dot_general3A_36 = arith.constant dense<0.000000e+00> : vector<1024x16xf32>
    %dot_general3A_37 = tpu.matmul %get3A_32, %get3A_35, %dot_general3A_36 {dimension_numbers = #tpu.dot_dimension_numbers<[1], [0], [0], [1], [0, 0, 1, 1], [], []>, transpose_lhs_hint = false} : vector<1024x16xf32>, vector<16x16xf32>, vector<1024x16xf32> -> vector<1024x16xf32>
    %add3A_38 = arith.addf %dot_general3A_29, %dot_general3A_37 : vector<1024x16xf32>
    %get3A_39 = arith.constant 0 : index
    %get3A_40 = arith.constant 0 : index
    %get3A_41 = vector.load %arg9[%get3A_39, %get3A_40] : memref<1x16xf32, #tpu.memory_space<vmem>>, vector<1x16xf32>
    %add3A_42 = vector.broadcast %get3A_41 : vector<1x16xf32> to vector<1024x16xf32>
    %add3A_43 = arith.addf %add3A_38, %add3A_42 : vector<1024x16xf32>
    %swap3A = arith.constant 0 : index
    %swap3A_44 = arith.constant 0 : index
    %swap3A_45 = vector.load %arg10[%swap3A, %swap3A_44] : memref<1024x16xf32, #tpu.memory_space<vmem>>, vector<1024x16xf32>
    tpu.vector_store %arg10[%swap3A, %swap3A_44], %add3A_43 {strides = array<i32>} : memref<1024x16xf32, #tpu.memory_space<vmem>>, vector<1024x16xf32>,
    return
  }
  func.func @transform_0(%arg0: i32) -> (i32, i32) {
    %c0_i32 = arith.constant 0 : i32
    %c0_i32_0 = arith.constant 0 : i32
    return %arg0, %c0_i32 : i32, i32
  }
  func.func @transform_1(%arg0: i32) -> (i32, i32) {
    %c0_i32 = arith.constant 0 : i32
    %c0_i32_0 = arith.constant 0 : i32
    return %arg0, %c0_i32 : i32, i32
  }
  func.func @transform_2(%arg0: i32) -> (i32, i32) {
    %c0_i32 = arith.constant 0 : i32
    %c0_i32_0 = arith.constant 0 : i32
    %c0_i32_1 = arith.constant 0 : i32
    return %c0_i32, %c0_i32_0 : i32, i32
  }
  func.func @transform_3(%arg0: i32) -> (i32, i32) {
    %c0_i32 = arith.constant 0 : i32
    %c0_i32_0 = arith.constant 0 : i32
    %c0_i32_1 = arith.constant 0 : i32
    return %c0_i32, %c0_i32_0 : i32, i32
  }
  func.func @transform_4(%arg0: i32) -> (i32, i32) {
    %c0_i32 = arith.constant 0 : i32
    %c0_i32_0 = arith.constant 0 : i32
    %c0_i32_1 = arith.constant 0 : i32
    return %c0_i32, %c0_i32_0 : i32, i32
  }
  func.func @transform_5(%arg0: i32) -> (i32, i32) {
    %c0_i32 = arith.constant 0 : i32
    %c0_i32_0 = arith.constant 0 : i32
    %c0_i32_1 = arith.constant 0 : i32
    return %c0_i32, %c0_i32_0 : i32, i32
  }
  func.func @transform_6(%arg0: i32) -> (i32, i32) {
    %c0_i32 = arith.constant 0 : i32
    %c0_i32_0 = arith.constant 0 : i32
    %c0_i32_1 = arith.constant 0 : i32
    return %c0_i32, %c0_i32_0 : i32, i32
  }
  func.func @transform_7(%arg0: i32) -> (i32, i32) {
    %c0_i32 = arith.constant 0 : i32
    %c0_i32_0 = arith.constant 0 : i32
    %c0_i32_1 = arith.constant 0 : i32
    return %c0_i32, %c0_i32_0 : i32, i32
  }
  func.func @transform_8(%arg0: i32) -> (i32, i32) {
    %c0_i32 = arith.constant 0 : i32
    %c0_i32_0 = arith.constant 0 : i32
    %c0_i32_1 = arith.constant 0 : i32
    return %c0_i32, %c0_i32_0 : i32, i32
  }
  func.func @transform_9(%arg0: i32) -> (i32, i32) {
    %c0_i32 = arith.constant 0 : i32
    %c0_i32_0 = arith.constant 0 : i32
    return %arg0, %c0_i32 : i32, i32
  }
}

</mosaic_0001>

<sc_bundles>
// kernel: kernel.4.cloned.1.call-start
scs
__scs_entry_jumppad:
0x0: {  	(pc) =	sbr.rel $0x88, $3  }
0x1: {  	(tag) =	ssettag $0x0;
	lr =	simm.s32 $0x1  }
0x2: {  	[smem:$0x3F98] =	sst lr;
	_ =	strace $0xD0000000  }
0x3: {  	_ = 	snop  }
0x4: {  	_ = 	snop  }
0x5: {  	_ = 	snop  }
0x6: {  	_ = 	snop  }
0x7: {  	_ = 	snop  }
__scs_overlays_trampoline_lowered:
0x8: {  	[smem:$0x3FA7] =	sst s0  }
0x9: {  	[smem:$0x3FA8] =	sst s1  }
0xa: {  	[smem:$0x3FA9] =	sst s2  }
0xb: {  	[smem:$0x3FAA] =	sst s3  }
0xc: {  	[smem:$0x3FAB] =	sst s4  }
0xd: {  	[smem:$0x3FAC] =	sst s5  }
0xe: {  	[smem:$0x3FAD] =	sst s6  }
0xf: {  	[smem:$0x3FAE] =	sst s7  }
0x10: {  	[smem:$0x3FAF] =	sst s8  }
0x11: {  	[smem:$0x3FB0] =	sst s9;
	s0 =	simm.s32 @!p0 $0x0  }
0x12: {  	s1 =	sld [smem:$0x3F96];
	s0 =	simm.s32 @p0 $0x1  }
0x13: {  	[smem:$0x3FB1] =	sst s0;
	s0 =	simm.s32 @!p1 $0x0  }
0x14: {  	s2 =	sld [smem:$0x3F95];
	s0 =	simm.s32 @p1 $0x1  }
0x15: {  	[smem:$0x3FB2] =	sst s0;
	s0 =	simm.s32 @!p2 $0x0  }
0x16: {  	s3 =	sld [smem:$0x3FDB];
	s0 =	simm.s32 @p2 $0x1  }
0x17: {  	s4 =	simm.s32 $0x1BF5;
	[smem:$0x3FB4] =	sst s0  }
0x18: {  	s0 =	sld [smem:$0x3F97];
	_ =	swait.ge [sflag:s4], $0x0  }
0x19: {  	s7 =	sld [smem:$0x3F98]  }
0x1a: {  	s8 =	sadd.s32 $0xFFFFE003, lr  }
0x1b: {  	s9 =	sadd.s32 $0xFFFFFEF7, lr;
	s5 =	simm.s32 $0xFFFFFFFF;
	p2 =	slt.u32 s8, $0xFFFFF086  }
0x1c: {  	p1 =	slt.u32 s9, $0xF7A;
	s5 =	simm.s32 @!p2 $0x0  }
0x1d: {  	s5 =	simm.s32 @p1 $0x1;
	p0 =	seq.s32 s7, s2  }
0x1e: {  	s7 =	smul.u32 @!p0 $0xF7A, s2;
	p2 =	seq.s32 @!p0 s5, $0x0  }
0x1f: {  	s9 =	smul.u32 $0xF7A, s1;
	s8 =	simm.s32 @!p0 $0x1BF5;
	p2 =	por !p2, p0  }
0x20: {  	[sflag:s8] =	ssyncset.s32 @!p0 $0xFFFFF086;
	s6 =	sadd.s32 @!p0 s3, s7;
	s7 =	simm.s32 @!p0 $0x108  }
0x21: {  	s3 =	sadd.s32 s3, s9;
	s6 =	sadd.s32 @!p0 $0x88, s6;
	s7 =	simm.s32 @p2 $0x1082  }
0x22: {  	[simem:s7], [sflag:s8] =	dma.local @!p0 [hbm:s6], $0xF7A  }
0x23: {  	s9 =	sor.u32 $0xD0000000, s2;
	s6 =	simm.s32 $0x108;
	_ =	swait.ge @!p0 [sflag:s8], $0x0  }
0x24: {  	s3 =	sadd.s32 $0x88, s3;
	s6 =	simm.s32 @!p1 $0x1082;
	[sflag:s4] =	ssyncset.s32 $0xFFFFF086  }
0x25: {  	[simem:s6], [sflag:s4] =	dma.local [hbm:s3], $0xF7A  }
0x26: {  	[smem:$0x3F98] =	sst s1;
	(tag) =	ssettag s2;
	_ =	strace s9  }
0x27: {  	s1 =	sld [smem:$0x3FA8]  }
0x28: {  	s2 =	sld [smem:$0x3FA9]  }
0x29: {  	s4 =	sld [smem:$0x3FAB]  }
0x2a: {  	p0 =	seq.s32 s5, $0x0;
	s5 =	sld [smem:$0x3FAC]  }
0x2b: {  	s6 =	sld [smem:$0x3FAD]  }
0x2c: {  	s7 =	sld [smem:$0x3FAE]  }
0x2d: {  	s3 =	simm.s32 $0x108;
	s8 =	sld [smem:$0x3FAF]  }
0x2e: {  	s3 =	simm.s32 @!p0 $0x1082;
	s9 =	sld [smem:$0x3FB0]  }
0x2f: {  	lr =	sadd.s32 s0, s3;
	s0 =	sld [smem:$0x3FA7]  }
0x30: {  	s3 =	sld [smem:$0x3FAA]  }
0x31: {  	[smem:$0x3FB3] =	sst s10  }
0x32: {  	s10 =	sld [smem:$0x3FB1];
	_ =	sdelay $0x3  }
0x33: {  	p0 =	seq.s32 s10, $0x1;
	s10 =	sld [smem:$0x3FB3];
	_ =	sdelay $0x3  }
0x34: {  	[smem:$0x3FB3] =	sst s10  }
0x35: {  	s10 =	sld [smem:$0x3FB2];
	_ =	sdelay $0x3  }
0x36: {  	p1 =	seq.s32 s10, $0x1;
	s10 =	sld [smem:$0x3FB3];
	_ =	sdelay $0x3  }
0x37: {  	[smem:$0x3FB3] =	sst s10  }
0x38: {  	s10 =	sld [smem:$0x3FB4]  }
0x39: {  	_ = 	snop;
	(pc) =	sbr.ind lr, $3  }
0x3a: {  	_ = 	snop  }
0x3b: {  	_ = 	snop  }
0x3c: {  	p2 =	seq.s32 s10, $0x1;
	s10 =	sld [smem:$0x3FB3]  }
0x3d: {  	_ =	shalt  }
0x3e: {  	_ =	shalt  }
0x3f: {  	_ =	shalt  }
0x40: {  	_ =	shalt  }
0x41: {  	_ =	shalt  }
0x42: {  	_ =	shalt  }
0x43: {  	_ =	shalt  }
0x44: {  	_ =	shalt  }
0x45: {  	_ =	shalt  }
0x46: {  	_ =	shalt  }
0x47: {  	_ =	shalt  }
0x48: {  	_ =	shalt  }
0x49: {  	_ =	shalt  }
0x4a: {  	_ =	shalt  }
0x4b: {  	_ =	shalt  }
0x4c: {  	_ =	shalt  }
0x4d: {  	_ =	shalt  }
0x4e: {  	_ =	shalt  }
0x4f: {  	_ =	shalt  }
0x50: {  	_ =	shalt  }
0x51: {  	_ =	shalt  }
0x52: {  	_ =	shalt  }
0x53: {  	_ =	shalt  }
0x54: {  	_ =	shalt  }
0x55: {  	_ =	shalt  }
0x56: {  	_ =	shalt  }
0x57: {  	_ =	shalt  }
0x58: {  	_ =	shalt  }
0x59: {  	_ =	shalt  }
0x5a: {  	_ =	shalt  }
0x5b: {  	_ =	shalt  }
0x5c: {  	_ =	shalt  }
0x5d: {  	_ =	shalt  }
0x5e: {  	_ =	shalt  }
0x5f: {  	_ =	shalt  }
0x60: {  	_ =	shalt  }
0x61: {  	_ =	shalt  }
0x62: {  	_ =	shalt  }
0x63: {  	_ =	shalt  }
0x64: {  	_ =	shalt  }
0x65: {  	_ =	shalt  }
0x66: {  	_ =	shalt  }
0x67: {  	_ =	shalt  }
0x68: {  	_ =	shalt  }
0x69: {  	_ =	shalt  }
0x6a: {  	_ =	shalt  }
0x6b: {  	_ =	shalt  }
0x6c: {  	_ =	shalt  }
0x6d: {  	_ =	shalt  }
0x6e: {  	_ =	shalt  }
0x6f: {  	_ =	shalt  }
0x70: {  	_ =	shalt  }
0x71: {  	_ =	shalt  }
0x72: {  	_ =	shalt  }
0x73: {  	_ =	shalt  }
0x74: {  	_ =	shalt  }
0x75: {  	_ =	shalt  }
0x76: {  	_ =	shalt  }
0x77: {  	_ =	shalt  }
0x78: {  	_ =	shalt  }
0x79: {  	_ =	shalt  }
0x7a: {  	_ =	shalt  }
0x7b: {  	_ =	shalt  }
0x7c: {  	_ =	shalt  }
0x7d: {  	_ =	shalt  }
0x7e: {  	_ =	shalt  }
0x7f: {  	_ =	shalt  }
0x80: {  	_ =	shalt  }
0x81: {  	_ =	shalt  }
0x82: {  	_ =	shalt  }
0x83: {  	_ =	shalt  }
0x84: {  	_ =	shalt  }
0x85: {  	_ =	shalt  }
0x86: {  	_ =	shalt  }
0x87: {  	_ =	shalt  }
.Lfunc_end0:
.L_simem_size_0:
called_computation_lowered:
.L_overlay_start_0:
0x88: {  	s2 =	sld [smem:$0x3FD9]  }
0x89: {  	s3 =	sld [smem:$0x3FFE];
	_ =	sdelay $0x1  }
0x8a: {  	s1 =	srdreg.scid  }
0x8b: {  	s0 =	sand.u32 $0x1, s1  }
0x8c: {  	s16 =	sshll.u32 s0, $0xA;
	s2 =	sadd.s32 s3, s2  }
0x8d: {  	s2 =	sadd.s32 s2, s16  }
0x8e: {  	[smem:$0x3FBF] =	sst s2  }
0x8f: {  	_ = 	snop  }
0x90: {  	(tm) =	ssettm $0x1  }
0x91: {  	s17 =	sld [smem:$0x3FFB];
	_ =	sdelay $0x3  }
0x92: {  	_ =	strace s17  }
0x93: {  	s2 =	sld [smem:$0x3FFC];
	_ =	sdelay $0x3  }
0x94: {  	_ =	strace s2  }
0x95: {  	s2 =	sld [smem:$0x3FFD];
	_ =	sdelay $0x3  }
0x96: {  	_ =	strace s2  }
0x97: {  	_ =	strace $0x8FFFFFFF  }
0x98: {  	s18 =	sld [smem:$0x3FDB];
	_ =	sdelay $0x1  }
0x99: {  	s19 =	simm.s32 $_scs_section_size  }
0x9a: {  	s4 =	simm.s32 $_size__tile_overlayer_lowered;
	s5 =	simm.s32 $_tile_overlayer_lowered  }
0x9b: {  	s22 =	simm.s32 $0x1BFF;
	s21 =	sshll.u32 s5, $0x1;
	s2 =	sadd.s32 s19, s18  }
0x9c: {  	s6 =	simm.s32 $0x0;
	s20 =	sshll.u32 s4, $0x1;
	s4 =	sadd.s32 s21, s2  }
0x9d: {  	[timem:s6], [sflag:s22] =	dma.local [hbm:s4], s20  }
0x9e: {  	_ =	swait.ge [sflag:s22], s20  }
0x9f: {  	s3 =	ssub.s32 $0x0, s20;
	[sflag:s22] =	ssyncset.done $0x0  }
0xa0: {  	[sflag:s22] =	ssyncadd.s32 s3;
	_ =	sdelay $0x1  }
0xa1: {  	s23 =	simm.s32 $0x1B8B  }
0xa2: {  	_ =	swait.ge [sflag:s23], $0x1  }
0xa3: {  	[sflag:s23] =	ssyncset.done $0x0  }
0xa4: {  	s25 =	simm.s32 $0x1B8E;
	s24 =	sld [smem:$0x3FFE];
	[sflag:s23] =	ssyncadd.s32 $0xFFFFFFFF  }
0xa5: {  	s26 =	simm.s32 $execute0_lowered;
	[smem:$0x3FD2] =	sst s25  }
0xa6: {  	s4 =	sshll.u32 s26, $0x1;
	_ =	strace $0x80000046;
	[dreg:$0x1] =	wrdreg $0xFFFFFFFF  }
0xa7: {  	s28 =	simm.s32 $_size_execute0_lowered;
	s2 =	sadd.s32 s2, s4;
	[dreg:$0x0] =	wrdreg $0x0  }
0xa8: {  	s4 =	sshll.u32 s28, $0x1;
	[dreg:$0x2] =	wrdreg s2  }
0xa9: {  	[dreg:$0x3] =	wrdreg s4  }
0xaa: {  	[dreg:$0x4] =	wrdreg $0xC0  }
0xab: {  	_ =	task [dreg:s6], $0x5FFFF  }
0xac: {  	[dreg:$0x1] =	wrdreg $0xFFFFFFFF  }
0xad: {  	[dreg:$0x0] =	wrdreg $0x60  }
0xae: {  	[dreg:$0x2] =	wrdreg s24  }
0xaf: {  	[dreg:$0x3] =	wrdreg $0x9  }
0xb0: {  	_ =	task.clear_ibuf [dreg:s6], $0x4FFFF;
	_ =	strace $0x90000046  }
0xb1: {  	s29 =	simm.s32 $0x9;
	_ =	strace $0x80000048  }
0xb2: {  	_ =	swait.ge [sflag:s29], $0x1  }
0xb3: {  	[sflag:s29] =	ssyncadd.s32 $0xFFFFFFFF  }
0xb4: {  	_ =	strace $0x90000048  }
0xb5: {  	_ =	sfence  }
0xb6: {  	s30 =	sld [smem:$0x0];
	_ =	sdelay $0x2  }
0xb7: {  	s31 =	sshll.u32 s1, $0xD;
	s1 =	sshrl.u32 s1, $0x2  }
0xb8: {  	s3 =	sand.u32 $0x4000, s31;
	s1 =	sadd.s32 s1, s30  }
0xb9: {  	s0 =	sor.u32 s3, s0;
	s1 =	sshll.u32 s1, $0x11  }
0xba: {  	s0 =	sor.u32 s1, s0  }
0xbb: {  	s0 =	sadd.s32 $0x8F2B, s0  }
0xbc: {  	[sflag:s0] =	ssyncadd.remote.s32 $0x1  }
0xbd: {  	_ =	sfence.sel $0xFFFF  }
0xbe: {  	[dreg:$0x0] =	wrdreg $0xFFFFFFFF;
	(pc) =	sbr.abs _section_cstart, $3  }
0xbf: {  	[dreg:$0x1] =	wrdreg $0xFFFFFFFF  }
0xc0: {  	_ =	task.clear_ibuf [dreg:s6], $0x2FFFF;
	_ =	strace $0x9FFFFFFF  }
0xc1: {  	(tm) =	ssettm $0x7FFFFFFF  }
tec
execute0_lowered:
.L_overlay_start_1:
0x0: {  	(tag) =	ssettag $0x1  }
0x1: {  	s1 =	srdreg.scid  }
0x2: {  	s0 =	stileid.u32;
	s5 =	rddreg [dreg:$0x0];
	s2 =	simm.s32 $0x0  }
0x3: {  	s31 =	simm.s32 $0x4400;
	s10 =	simm.s32 $0x6400;
	s11 =	simm.s32 $0x7400  }
0x4: {  	s12 =	simm.s32 $0x8400;
	s13 =	simm.s32 $0x9400;
	s14 =	simm.s32 $0xA400  }
0x5: {  	s15 =	simm.s32 $0xB400;
	s16 =	simm.s32 $0xC400;
	s17 =	simm.s32 $0xD400  }
0x6: {  	s18 =	simm.s32 $0xE400;
	s19 =	simm.s32 $0xF400;
	s20 =	simm.s32 $0x1  }
0x7: {  	s21 =	simm.s32 $0x0;
	s4 =	sand.u32 $0x1, s1;
	s1 =	rddreg [dreg:$0x1]  }
0x8: {  	s29 =	sshll.u32 s0, $0x1;
	[smem:$0x7FF] =	sst s2;
	s7 =	smul.u32 $0x1A000, s0  }
0x9: {  	s3 =	sor.u32 s4, s29;
	_ =	strace $0x80000047;
	s8 =	smul.u32 $0xD000, s4  }
0xa: {  	s4 =	ssub.s32 $0x2, s4;
	[dreg:$0x3] =	wrdreg s31;
	s6 =	smul.u32 $0x3400, s3  }
0xb: {  	s3 =	sadd.s32 $0x27AE000, s5;
	s7 =	sadd.s32 s7, s5;
	s9 =	sshrl.u32 s4, $0x1  }
0xc: {  	s7 =	sadd.s32 s8, s7;
	s30 =	ssub.s32 s4, s9;
	s8 =	simm.s32 $0x3400  }
0xd: {  	s9 =	simm.s32 $0x5400;
	s6 =	sshrl.u32 s6, $0x3;
	s7 =	sadd.s32 $0xEC00, s7  }
0xe: {  	s5 =	sadd.s32 s6, s5;
	[dreg:$0x2] =	wrdreg s7;
	s6 =	simm.s32 $0x2  }
0xf: {  	s7 =	simm.s32 $0x80;
	s4 =	sadd.s32 $0x1C00, s5;
	s5 =	smax.u32 s30, $0x1  }
.LBB2_1:
0x10: {  	[tilespmem:s2], [sflag:$0x2] =	stream.linear.gather [hbm4b:s4+s2], $0x3400, $0x38;
	[tilespmem:$0x10400] =	vst v63  }
0x11: {  	_ =	swait.ge [sflag:s6], $0x3400  }
0x12: {  	[sflag:s6] =	ssyncset.done $0x0  }
0x13: {  	s22 =	simm.s32 $0x0;
	[sflag:s6] =	ssyncadd.s32 $0xFFFFCC00  }
0x14: {  	[tilespmem:s8], [sflag:$0x1] =	stream.indirect.gather [hbm4b:s3+s7], $0x20, s22, s7, $0xb8;
	[tilespmem:$0x10400] =	vst v63  }
0x15: {  	s26 =	simm.s32 $0x80;
	s23 =	rddreg [dreg:$0x3]  }
0x16: {  	[tilespmem:s23], [sflag:$0x1] =	stream.indirect.gather [hbm4b:s3+s7], $0x20, s26, s7, $0xb8;
	[tilespmem:$0x10400] =	vst v63  }
0x17: {  	s28 =	simm.s32 $0x100  }
0x18: {  	[tilespmem:s9], [sflag:$0x1] =	stream.indirect.gather [hbm4b:s3+s7], $0x20, s28, s7, $0xb8;
	[tilespmem:$0x10400] =	vst v63  }
0x19: {  	s29 =	simm.s32 $0x180  }
0x1a: {  	[tilespmem:s10], [sflag:$0x1] =	stream.indirect.gather [hbm4b:s3+s7], $0x20, s29, s7, $0xb8;
	[tilespmem:$0x10400] =	vst v63  }
0x1b: {  	s30 =	simm.s32 $0x200  }
0x1c: {  	[tilespmem:s11], [sflag:$0x1] =	stream.indirect.gather [hbm4b:s3+s7], $0x20, s30, s7, $0xb8;
	[tilespmem:$0x10400] =	vst v63  }
0x1d: {  	s31 =	simm.s32 $0x280  }
0x1e: {  	[tilespmem:s12], [sflag:$0x1] =	stream.indirect.gather [hbm4b:s3+s7], $0x20, s31, s7, $0xb8;
	[tilespmem:$0x10400] =	vst v63  }
0x1f: {  	s23 =	simm.s32 $0x300  }
0x20: {  	[tilespmem:s13], [sflag:$0x1] =	stream.indirect.gather [hbm4b:s3+s7], $0x20, s23, s7, $0xb8;
	[tilespmem:$0x10400] =	vst v63  }
0x21: {  	s24 =	simm.s32 $0x380  }
0x22: {  	[tilespmem:s14], [sflag:$0x1] =	stream.indirect.gather [hbm4b:s3+s7], $0x20, s24, s7, $0xb8;
	[tilespmem:$0x10400] =	vst v63  }
0x23: {  	s25 =	simm.s32 $0x400  }
0x24: {  	[tilespmem:s15], [sflag:$0x1] =	stream.indirect.gather [hbm4b:s3+s7], $0x20, s25, s7, $0xb8;
	[tilespmem:$0x10400] =	vst v63  }
0x25: {  	s26 =	simm.s32 $0x480  }
0x26: {  	[tilespmem:s16], [sflag:$0x1] =	stream.indirect.gather [hbm4b:s3+s7], $0x20, s26, s7, $0xb8;
	[tilespmem:$0x10400] =	vst v63  }
0x27: {  	s28 =	simm.s32 $0x500  }
0x28: {  	[tilespmem:s17], [sflag:$0x1] =	stream.indirect.gather [hbm4b:s3+s7], $0x20, s28, s7, $0xb8;
	[tilespmem:$0x10400] =	vst v63  }
0x29: {  	s29 =	simm.s32 $0x580  }
0x2a: {  	[tilespmem:s18], [sflag:$0x1] =	stream.indirect.gather [hbm4b:s3+s7], $0x20, s29, s7, $0xb8;
	[tilespmem:$0x10400] =	vst v63  }
0x2b: {  	s30 =	simm.s32 $0x600  }
0x2c: {  	[tilespmem:s19], [sflag:$0x1] =	stream.indirect.gather [hbm4b:s3+s7], $0x20, s30, s7, $0xb8;
	[tilespmem:$0x10400] =	vst v63  }
0x2d: {  	_ =	swait.ge [sflag:s20], $0x1000  }
0x2e: {  	[sflag:s20] =	ssyncset.done $0x0  }
0x2f: {  	[sflag:s20] =	ssyncadd.s32 $0xFFFFF000  }
0x30: {  	_ =	swait.ge [sflag:s20], $0x1000  }
0x31: {  	[sflag:s20] =	ssyncset.done $0x0  }
0x32: {  	[sflag:s20] =	ssyncadd.s32 $0xFFFFF000  }
0x33: {  	_ =	swait.ge [sflag:s20], $0x1000  }
0x34: {  	[sflag:s20] =	ssyncset.done $0x0  }
0x35: {  	[sflag:s20] =	ssyncadd.s32 $0xFFFFF000  }
0x36: {  	_ =	swait.ge [sflag:s20], $0x1000  }
0x37: {  	[sflag:s20] =	ssyncset.done $0x0  }
0x38: {  	[sflag:s20] =	ssyncadd.s32 $0xFFFFF000  }
0x39: {  	_ =	swait.ge [sflag:s20], $0x1000  }
0x3a: {  	[sflag:s20] =	ssyncset.done $0x0  }
0x3b: {  	[sflag:s20] =	ssyncadd.s32 $0xFFFFF000  }
0x3c: {  	_ =	swait.ge [sflag:s20], $0x1000  }
0x3d: {  	[sflag:s20] =	ssyncset.done $0x0  }
0x3e: {  	[sflag:s20] =	ssyncadd.s32 $0xFFFFF000  }
0x3f: {  	_ =	swait.ge [sflag:s20], $0x1000  }
0x40: {  	[sflag:s20] =	ssyncset.done $0x0  }
0x41: {  	[sflag:s20] =	ssyncadd.s32 $0xFFFFF000  }
0x42: {  	_ =	swait.ge [sflag:s20], $0x1000  }
0x43: {  	[sflag:s20] =	ssyncset.done $0x0  }
0x44: {  	[sflag:s20] =	ssyncadd.s32 $0xFFFFF000  }
0x45: {  	_ =	swait.ge [sflag:s20], $0x1000  }
0x46: {  	[sflag:s20] =	ssyncset.done $0x0  }
0x47: {  	[sflag:s20] =	ssyncadd.s32 $0xFFFFF000  }
0x48: {  	_ =	swait.ge [sflag:s20], $0x1000  }
0x49: {  	[sflag:s20] =	ssyncset.done $0x0  }
0x4a: {  	[sflag:s20] =	ssyncadd.s32 $0xFFFFF000  }
0x4b: {  	_ =	swait.ge [sflag:s20], $0x1000  }
0x4c: {  	[sflag:s20] =	ssyncset.done $0x0  }
0x4d: {  	[sflag:s20] =	ssyncadd.s32 $0xFFFFF000  }
0x4e: {  	_ =	swait.ge [sflag:s20], $0x1000  }
0x4f: {  	[sflag:s20] =	ssyncset.done $0x0  }
0x50: {  	[sflag:s20] =	ssyncadd.s32 $0xFFFFF000  }
0x51: {  	_ =	swait.ge [sflag:s20], $0x1000  }
0x52: {  	s31 =	rddreg [dreg:$0x2];
	[sflag:s20] =	ssyncset.done $0x0  }
0x53: {  	[sflag:s20] =	ssyncadd.s32 $0xFFFFF000;
	s22 =	sadd.s32 $0x0, s31  }
0x54: {  	[hbm4b:s22+s2] =	stream.linear.scatter [tilespmem:s8], [sflag:$0x2], $0xD000, $0x38;
	[tilespmem:$0x10400] =	vst v63  }
0x55: {  	_ =	swait.ge [sflag:s6], $0xD000  }
0x56: {  	s23 =	simm.s32 $0x3400;
	s22 =	simm.s32 $0x1A00;
	[sflag:s6] =	ssyncset.done $0x0  }
.LBB2_2:
0x57: {  	s25 =	sshra.s32 s22, $0x2;
	[sflag:s6] =	ssyncadd.s32 $0xFFFF3000  }
0x58: {  	[tilespmem:s8], [sflag:$0x1] =	stream.indirect.gather [hbm4b:s3+s7], $0x20, s25, s7, $0xb8;
	[tilespmem:$0x10400] =	vst v63  }
0x59: {  	s26 =	rddreg [dreg:$0x3];
	s28 =	sadd.s32 $0x80, s25  }
0x5a: {  	[tilespmem:s26], [sflag:$0x1] =	stream.indirect.gather [hbm4b:s3+s7], $0x20, s28, s7, $0xb8;
	[tilespmem:$0x10400] =	vst v63  }
0x5b: {  	s29 =	sadd.s32 $0x100, s25  }
0x5c: {  	[tilespmem:s9], [sflag:$0x1] =	stream.indirect.gather [hbm4b:s3+s7], $0x20, s29, s7, $0xb8;
	[tilespmem:$0x10400] =	vst v63  }
0x5d: {  	s30 =	sadd.s32 $0x180, s25  }
0x5e: {  	[tilespmem:s10], [sflag:$0x1] =	stream.indirect.gather [hbm4b:s3+s7], $0x20, s30, s7, $0xb8;
	[tilespmem:$0x10400] =	vst v63  }
0x5f: {  	s31 =	sadd.s32 $0x200, s25  }
0x60: {  	[tilespmem:s11], [sflag:$0x1] =	stream.indirect.gather [hbm4b:s3+s7], $0x20, s31, s7, $0xb8;
	[tilespmem:$0x10400] =	vst v63  }
0x61: {  	s28 =	sadd.s32 $0x280, s25  }
0x62: {  	[tilespmem:s12], [sflag:$0x1] =	stream.indirect.gather [hbm4b:s3+s7], $0x20, s28, s7, $0xb8;
	[tilespmem:$0x10400] =	vst v63  }
0x63: {  	s29 =	sadd.s32 $0x300, s25  }
0x64: {  	[tilespmem:s13], [sflag:$0x1] =	stream.indirect.gather [hbm4b:s3+s7], $0x20, s29, s7, $0xb8;
	[tilespmem:$0x10400] =	vst v63  }
0x65: {  	s30 =	sadd.s32 $0x380, s25  }
0x66: {  	[tilespmem:s14], [sflag:$0x1] =	stream.indirect.gather [hbm4b:s3+s7], $0x20, s30, s7, $0xb8;
	[tilespmem:$0x10400] =	vst v63  }
0x67: {  	s31 =	sadd.s32 $0x400, s25  }
0x68: {  	[tilespmem:s15], [sflag:$0x1] =	stream.indirect.gather [hbm4b:s3+s7], $0x20, s31, s7, $0xb8;
	[tilespmem:$0x10400] =	vst v63  }
0x69: {  	s28 =	sadd.s32 $0x480, s25  }
0x6a: {  	[tilespmem:s16], [sflag:$0x1] =	stream.indirect.gather [hbm4b:s3+s7], $0x20, s28, s7, $0xb8;
	[tilespmem:$0x10400] =	vst v63  }
0x6b: {  	s29 =	sadd.s32 $0x500, s25  }
0x6c: {  	[tilespmem:s17], [sflag:$0x1] =	stream.indirect.gather [hbm4b:s3+s7], $0x20, s29, s7, $0xb8;
	[tilespmem:$0x10400] =	vst v63  }
0x6d: {  	s30 =	sadd.s32 $0x580, s25  }
0x6e: {  	[tilespmem:s18], [sflag:$0x1] =	stream.indirect.gather [hbm4b:s3+s7], $0x20, s30, s7, $0xb8;
	[tilespmem:$0x10400] =	vst v63  }
0x6f: {  	s25 =	sadd.s32 $0x600, s25  }
0x70: {  	[tilespmem:s19], [sflag:$0x1] =	stream.indirect.gather [hbm4b:s3+s7], $0x20, s25, s7, $0xb8;
	[tilespmem:$0x10400] =	vst v63  }
0x71: {  	_ =	swait.ge [sflag:s20], $0x1000  }
0x72: {  	[sflag:s20] =	ssyncset.done $0x0  }
0x73: {  	[sflag:s20] =	ssyncadd.s32 $0xFFFFF000  }
0x74: {  	_ =	swait.ge [sflag:s20], $0x1000  }
0x75: {  	[sflag:s20] =	ssyncset.done $0x0  }
0x76: {  	[sflag:s20] =	ssyncadd.s32 $0xFFFFF000  }
0x77: {  	_ =	swait.ge [sflag:s20], $0x1000  }
0x78: {  	[sflag:s20] =	ssyncset.done $0x0  }
0x79: {  	[sflag:s20] =	ssyncadd.s32 $0xFFFFF000  }
0x7a: {  	_ =	swait.ge [sflag:s20], $0x1000  }
0x7b: {  	[sflag:s20] =	ssyncset.done $0x0  }
0x7c: {  	[sflag:s20] =	ssyncadd.s32 $0xFFFFF000  }
0x7d: {  	_ =	swait.ge [sflag:s20], $0x1000  }
0x7e: {  	[sflag:s20] =	ssyncset.done $0x0  }
0x7f: {  	[sflag:s20] =	ssyncadd.s32 $0xFFFFF000  }
0x80: {  	_ =	swait.ge [sflag:s20], $0x1000  }
0x81: {  	[sflag:s20] =	ssyncset.done $0x0  }
0x82: {  	[sflag:s20] =	ssyncadd.s32 $0xFFFFF000  }
0x83: {  	_ =	swait.ge [sflag:s20], $0x1000  }
0x84: {  	[sflag:s20] =	ssyncset.done $0x0  }
0x85: {  	[sflag:s20] =	ssyncadd.s32 $0xFFFFF000  }
0x86: {  	_ =	swait.ge [sflag:s20], $0x1000  }
0x87: {  	[sflag:s20] =	ssyncset.done $0x0  }
0x88: {  	[sflag:s20] =	ssyncadd.s32 $0xFFFFF000  }
0x89: {  	_ =	swait.ge [sflag:s20], $0x1000  }
0x8a: {  	[sflag:s20] =	ssyncset.done $0x0  }
0x8b: {  	[sflag:s20] =	ssyncadd.s32 $0xFFFFF000  }
0x8c: {  	_ =	swait.ge [sflag:s20], $0x1000  }
0x8d: {  	[sflag:s20] =	ssyncset.done $0x0  }
0x8e: {  	[sflag:s20] =	ssyncadd.s32 $0xFFFFF000  }
0x8f: {  	_ =	swait.ge [sflag:s20], $0x1000  }
0x90: {  	[sflag:s20] =	ssyncset.done $0x0  }
0x91: {  	[sflag:s20] =	ssyncadd.s32 $0xFFFFF000  }
0x92: {  	_ =	swait.ge [sflag:s20], $0x1000  }
0x93: {  	[sflag:s20] =	ssyncset.done $0x0  }
0x94: {  	[sflag:s20] =	ssyncadd.s32 $0xFFFFF000  }
0x95: {  	p0 =	sne.s32 s23, $0xB600;
	_ =	swait.ge [sflag:s20], $0x1000  }
.Ltmp0:
0x96: {  	s31 =	rddreg [dreg:$0x2];
	[sflag:s20] =	ssyncset.done $0x0;
	(pc) =	sbr.rel @p0 .LBB2_2-.Ltmp0, $4  }
0x97: {  	[sflag:s20] =	ssyncadd.s32 $0xFFFFF000;
	s25 =	sadd.s32 s22, s31  }
0x98: {  	[hbm4b:s25+s2] =	stream.linear.scatter [tilespmem:s8], [sflag:$0x2], $0xD000, $0x38;
	[tilespmem:$0x10400] =	vst v63  }
0x99: {  	s24 =	smov.u32 s23;
	_ =	swait.ge [sflag:s6], $0xD000  }
0x9a: {  	s23 =	sadd.s32 $0x1A00, s23;
	s22 =	smov.u32 s24;
	[sflag:s6] =	ssyncset.done $0x0  }
0x9b: {  	s23 =	sshra.s32 s22, $0x2;
	[sflag:s6] =	ssyncadd.s32 $0xFFFF3000  }
0x9c: {  	[tilespmem:s8], [sflag:$0x1] =	stream.indirect.gather [hbm4b:s3+s7], $0x20, s23, s7, $0xb8;
	[tilespmem:$0x10400] =	vst v63  }
0x9d: {  	s24 =	rddreg [dreg:$0x3];
	s25 =	sadd.s32 $0x80, s23  }
0x9e: {  	[tilespmem:s24], [sflag:$0x1] =	stream.indirect.gather [hbm4b:s3+s7], $0x20, s25, s7, $0xb8;
	[tilespmem:$0x10400] =	vst v63  }
0x9f: {  	s25 =	sadd.s32 $0x100, s23  }
0xa0: {  	[tilespmem:s9], [sflag:$0x1] =	stream.indirect.gather [hbm4b:s3+s7], $0x20, s25, s7, $0xb8;
	[tilespmem:$0x10400] =	vst v63  }
0xa1: {  	s26 =	sadd.s32 $0x180, s23  }
0xa2: {  	[tilespmem:s10], [sflag:$0x1] =	stream.indirect.gather [hbm4b:s3+s7], $0x20, s26, s7, $0xb8;
	[tilespmem:$0x10400] =	vst v63  }
0xa3: {  	s28 =	sadd.s32 $0x200, s23  }
0xa4: {  	[tilespmem:s11], [sflag:$0x1] =	stream.indirect.gather [hbm4b:s3+s7], $0x20, s28, s7, $0xb8;
	[tilespmem:$0x10400] =	vst v63  }
0xa5: {  	s29 =	sadd.s32 $0x280, s23  }
0xa6: {  	[tilespmem:s12], [sflag:$0x1] =	stream.indirect.gather [hbm4b:s3+s7], $0x20, s29, s7, $0xb8;
	[tilespmem:$0x10400] =	vst v63  }
0xa7: {  	s30 =	sadd.s32 $0x300, s23  }
0xa8: {  	[tilespmem:s13], [sflag:$0x1] =	stream.indirect.gather [hbm4b:s3+s7], $0x20, s30, s7, $0xb8;
	[tilespmem:$0x10400] =	vst v63  }
0xa9: {  	s31 =	sadd.s32 $0x380, s23  }
0xaa: {  	[tilespmem:s14], [sflag:$0x1] =	stream.indirect.gather [hbm4b:s3+s7], $0x20, s31, s7, $0xb8;
	[tilespmem:$0x10400] =	vst v63  }
0xab: {  	s25 =	sadd.s32 $0x400, s23  }
0xac: {  	[tilespmem:s15], [sflag:$0x1] =	stream.indirect.gather [hbm4b:s3+s7], $0x20, s25, s7, $0xb8;
	[tilespmem:$0x10400] =	vst v63  }
0xad: {  	s26 =	sadd.s32 $0x480, s23  }
0xae: {  	[tilespmem:s16], [sflag:$0x1] =	stream.indirect.gather [hbm4b:s3+s7], $0x20, s26, s7, $0xb8;
	[tilespmem:$0x10400] =	vst v63  }
0xaf: {  	s28 =	sadd.s32 $0x500, s23  }
0xb0: {  	[tilespmem:s17], [sflag:$0x1] =	stream.indirect.gather [hbm4b:s3+s7], $0x20, s28, s7, $0xb8;
	[tilespmem:$0x10400] =	vst v63  }
0xb1: {  	s29 =	sadd.s32 $0x580, s23  }
0xb2: {  	[tilespmem:s18], [sflag:$0x1] =	stream.indirect.gather [hbm4b:s3+s7], $0x20, s29, s7, $0xb8;
	[tilespmem:$0x10400] =	vst v63  }
0xb3: {  	s23 =	sadd.s32 $0x600, s23  }
0xb4: {  	[tilespmem:s19], [sflag:$0x1] =	stream.indirect.gather [hbm4b:s3+s7], $0x20, s23, s7, $0xb8;
	[tilespmem:$0x10400] =	vst v63  }
0xb5: {  	_ =	swait.ge [sflag:s20], $0x1000  }
0xb6: {  	[sflag:s20] =	ssyncset.done $0x0  }
0xb7: {  	[sflag:s20] =	ssyncadd.s32 $0xFFFFF000  }
0xb8: {  	_ =	swait.ge [sflag:s20], $0x1000  }
0xb9: {  	[sflag:s20] =	ssyncset.done $0x0  }
0xba: {  	[sflag:s20] =	ssyncadd.s32 $0xFFFFF000  }
0xbb: {  	_ =	swait.ge [sflag:s20], $0x1000  }
0xbc: {  	[sflag:s20] =	ssyncset.done $0x0  }
0xbd: {  	[sflag:s20] =	ssyncadd.s32 $0xFFFFF000  }
0xbe: {  	_ =	swait.ge [sflag:s20], $0x1000  }
0xbf: {  	[sflag:s20] =	ssyncset.done $0x0  }
0xc0: {  	[sflag:s20] =	ssyncadd.s32 $0xFFFFF000  }
0xc1: {  	_ =	swait.ge [sflag:s20], $0x1000  }
0xc2: {  	[sflag:s20] =	ssyncset.done $0x0  }
0xc3: {  	[sflag:s20] =	ssyncadd.s32 $0xFFFFF000  }
0xc4: {  	_ =	swait.ge [sflag:s20], $0x1000  }
0xc5: {  	[sflag:s20] =	ssyncset.done $0x0  }
0xc6: {  	[sflag:s20] =	ssyncadd.s32 $0xFFFFF000  }
0xc7: {  	_ =	swait.ge [sflag:s20], $0x1000  }
0xc8: {  	[sflag:s20] =	ssyncset.done $0x0  }
0xc9: {  	[sflag:s20] =	ssyncadd.s32 $0xFFFFF000  }
0xca: {  	_ =	swait.ge [sflag:s20], $0x1000  }
0xcb: {  	[sflag:s20] =	ssyncset.done $0x0  }
0xcc: {  	[sflag:s20] =	ssyncadd.s32 $0xFFFFF000  }
0xcd: {  	_ =	swait.ge [sflag:s20], $0x1000  }
0xce: {  	[sflag:s20] =	ssyncset.done $0x0  }
0xcf: {  	[sflag:s20] =	ssyncadd.s32 $0xFFFFF000  }
0xd0: {  	_ =	swait.ge [sflag:s20], $0x1000  }
0xd1: {  	[sflag:s20] =	ssyncset.done $0x0  }
0xd2: {  	[sflag:s20] =	ssyncadd.s32 $0xFFFFF000  }
0xd3: {  	_ =	swait.ge [sflag:s20], $0x1000  }
0xd4: {  	[sflag:s20] =	ssyncset.done $0x0  }
0xd5: {  	[sflag:s20] =	ssyncadd.s32 $0xFFFFF000  }
0xd6: {  	_ =	swait.ge [sflag:s20], $0x1000  }
0xd7: {  	[sflag:s20] =	ssyncset.done $0x0  }
0xd8: {  	[sflag:s20] =	ssyncadd.s32 $0xFFFFF000  }
0xd9: {  	s21 =	sadd.s32 $0x1, s21;
	_ =	swait.ge [sflag:s20], $0x1000  }
0xda: {  	p0 =	sne.s32 s21, s5;
	s30 =	rddreg [dreg:$0x2];
	[sflag:s20] =	ssyncset.done $0x0  }
.Ltmp1:
0xdb: {  	[sflag:s20] =	ssyncadd.s32 $0xFFFFF000;
	s31 =	sadd.s32 s22, s30;
	(pc) =	sbr.rel @p0 .LBB2_1-.Ltmp1, $4  }
0xdc: {  	[hbm4b:s31+s2] =	stream.linear.scatter [tilespmem:s8], [sflag:$0x2], $0xD000, $0x38;
	[tilespmem:$0x10400] =	vst v63  }
0xdd: {  	_ =	swait.ge [sflag:s6], $0xD000  }
0xde: {  	[sflag:s6] =	ssyncset.done $0x0  }
0xdf: {  	[sflag:s6] =	ssyncadd.s32 $0xFFFF3000  }
0xe0: {  	_ =	sfence.sel $0x180000  }
0xe1: {  	[bflag:$0x0] =	sbarrier.arrive $0xFFFF  }
0xe2: {  	p0 =	sne.s32 s0, $0x0;
	_ =	strace $0x90000047  }
0xe3: {  	s0 =	sadd.s32 @!p0 $0x100000, s1;
	[bflag:$0x2] =	sbarrier.arrive $0xFFFF  }
0xe4: {  	[sflag:s0] =	ssyncadd.tile.s32 @!p0 $0x1;
	_ =	shalt  }
.Lfunc_end2:
_tile_overlayer_lowered:
.L_overlay_start_2:
0xe5: {  	(tag) =	ssettag $0x2  }
0xe6: {  	s0 =	rddreg [dreg:$0x0];
	s2 =	stileid.u32  }
0xe7: {  	s1 =	rddreg [dreg:$0x1];
	p0 =	sne.s32 s2, $0x0  }
0xe8: {  	s3 =	rddreg [dreg:$0x2];
	[bflag:$0x3] =	sbarrier.arrive $0xFFFF;
	s2 =	simm.s32 @!p0 $0x1C02  }
0xe9: {  	[timem:s3], [sflag:s2] =	dma.local @!p0 [hbm:s0], s1  }
0xea: {  	s0 =	simm.s32 @!p0 $0x2  }
0xeb: {  	_ =	swait.ge @!p0 [sflag:s0], s1  }
0xec: {  	s1 =	ssub.s32 @!p0 $0x0, s1;
	[sflag:s0] =	ssyncset.done @!p0 $0x0  }
0xed: {  	[sflag:s0] =	ssyncadd.s32 @!p0 s1  }
0xee: {  	[bflag:$0x3] =	sbarrier.arrive $0xFFFF  }
0xef: {  	_ =	shalt  }

</sc_bundles>
